<compile_context>
chip_gen: v7x
topology: tpu7x:2x2x1
jax: 0.10.2.dev20260603
libtpu: 0.0.44.dev20260713+nightly
codegen_flags: <defaults>
</compile_context>

<pallas_src>
import functools

import jax
import jax.numpy as jnp
from jax import lax
from jax.experimental import pallas as pl
from jax.experimental.pallas import tpu as pltpu
from jax.experimental.pallas import tpu_sc as plsc

G = 4
DIM = 32
NE = 8
OC = 64
K = 4
LL = 128
LP = 126
TB = 64
SCB = 128
NW = 32
NBLK = 8


def _route_body(x_ref, wg_ref, gates_ref, part_ref, xw_v, wgv, gv, pacc, sem):
    wid = lax.axis_index("s") * 2 + lax.axis_index("c")
    g = wid // NBLK
    blk = wid % NBLK
    tok0 = blk * SCB

    pltpu.async_copy(
        x_ref.at[pl.ds(tok0, SCB), pl.ds(g * DIM * 8, DIM * 8)],
        xw_v, sem).wait()
    pltpu.async_copy(wg_ref.at[g], wgv, sem).wait()

    zero = jnp.zeros((16,), jnp.float32)
    for j in range(2):
        for e in range(NE):
            pacc[j, e] = zero

    lane = lax.broadcasted_iota(jnp.int32, (16,), 0)

    def chunk_body(c, _):
        idx_tok = c * 16 + lane

        def i_body(i, acc):
            for t in range(5):
                col = jnp.full((16,), i * 8 + t + 2, jnp.int32)
                xv = plsc.load_gather(xw_v, [idx_tok, col])
                base = i * 40 + t * NE
                for e in range(NE):
                    ws = plsc.load_gather(wgv, [jnp.full((16,), base + e,
                                                         jnp.int32)])
                    acc = tuple(
                        acc[q] + xv * ws if q == e else acc[q]
                        for q in range(NE))
            return acc

        le = lax.fori_loop(0, DIM, i_body,
                           tuple(zero for _ in range(NE)))

        m = le[0]
        for e in range(1, NE):
            m = jnp.maximum(m, le[e])
        z = [jnp.exp(le[e] - m) for e in range(NE)]
        s = z[0]
        for e in range(1, NE):
            s = s + z[e]
        p = [z[e] / s for e in range(NE)]

        work = list(p)
        sel = [jnp.zeros((16,), jnp.bool_) for _ in range(NE)]
        neg = jnp.full((16,), -1e30, jnp.float32)
        for _ in range(K):
            mx = work[0]
            for e in range(1, NE):
                mx = jnp.maximum(mx, work[e])
            found = jnp.zeros((16,), jnp.bool_)
            for e in range(NE):
                is_e = jnp.logical_and(work[e] == mx,
                                       jnp.logical_not(found))
                found = jnp.logical_or(found, is_e)
                sel[e] = jnp.logical_or(sel[e], is_e)
                work[e] = jnp.where(is_e, neg, work[e])

        tk = [jnp.where(sel[e], p[e], 0.0) for e in range(NE)]
        denom = tk[0]
        for e in range(1, NE):
            denom = denom + tk[e]
        denom = denom + 1e-6
        one = jnp.ones((16,), jnp.float32)
        for e in range(NE):
            gv_e = tk[e] / denom
            plsc.store_scatter(gv, [idx_tok, jnp.full((16,), e, jnp.int32)],
                               gv_e)
            plsc.addupdate(pacc.at[0, e], gv_e)
            plsc.addupdate(pacc.at[1, e],
                           jnp.where(gv_e > 0.0, one, 0.0))
        return ()

    lax.fori_loop(0, SCB // 16, chunk_body, ())

    pltpu.sync_copy(gv, gates_ref.at[g, pl.ds(tok0, SCB), :])
    pltpu.sync_copy(pacc, part_ref.at[:, g, :, blk, :])


def _route_call(xwin, wgr, interpret=False):
    b = xwin.shape[0]
    mesh = plsc.VectorSubcoreMesh(core_axis_name="c", subcore_axis_name="s",
                                  num_cores=2, num_subcores=16)
    return pl.kernel(
        _route_body,
        interpret=interpret,
        compiler_params=pltpu.CompilerParams(needs_layout_passes=False),
        out_type=(
            jax.ShapeDtypeStruct((G, b, NE), jnp.float32),
            jax.ShapeDtypeStruct((2, G, NE, NBLK, 16), jnp.float32),
        ),
        mesh=mesh,
        scratch_types=[
            pltpu.VMEM((SCB, DIM * 8), jnp.float32),
            pltpu.VMEM((DIM * 5 * NE,), jnp.float32),
            pltpu.VMEM((SCB, NE), jnp.float32),
            pltpu.VMEM((2, NE, 16), jnp.float32),
            pltpu.SemaphoreType.DMA,
        ],
    )(xwin, wgr)


def _moe_body(x_ref, w1_ref, b1_ref, w2_ref, b2_ref, gates_ref, part_ref,
              cf_ref, loss_ref, *, nbt):
    g = pl.program_id(0)
    bt = pl.program_id(1)
    xb = x_ref[:, 0]
    gates = gates_ref[0]

    w1 = w1_ref[0]
    xb16 = xb.astype(jnp.bfloat16)
    hf = [jax.lax.dot_general(xb16, w1[t], (((1,), (0,)), ((), ())),
                              preferred_element_type=jnp.float32)
          for t in range(3)]
    hpre = hf[0][:, 0:LP] + hf[1][:, 1:LP + 1] + hf[2][:, 2:LP + 2]
    h = jnp.tanh(hpre + b1_ref[0][None])

    bias_c = jax.lax.dot_general(gates, b2_ref[0], (((1,), (0,)), ((), ())),
                                 preferred_element_type=jnp.float32)
    weff2d = jax.lax.dot_general(gates.astype(jnp.bfloat16), w2_ref[0],
                                 (((1,), (0,)), ((), ())),
                                 preferred_element_type=jnp.float32)
    weff = weff2d.astype(jnp.bfloat16).reshape(TB, OC, OC)
    out = jax.lax.dot_general(h.astype(jnp.bfloat16), weff,
                              (((2,), (1,)), ((0,), (0,))),
                              preferred_element_type=jnp.float32)
    out = out + bias_c[:, None, :]
    cf_ref[:, 0] = jnp.swapaxes(out, 1, 2)

    @pl.when(jnp.logical_and(g == G - 1, bt == nbt - 1))
    def _():
        sums = jnp.sum(part_ref[...], axis=3)

        def cv(v):
            m = jnp.mean(v, axis=1, keepdims=True)
            var = jnp.sum((v - m) ** 2, axis=1, keepdims=True) / (NE - 1)
            return var / (m * m + 1e-10)
        loss = 0.01 * (jnp.sum(cv(sums[0]), keepdims=True)
                       + jnp.sum(cv(sums[1]), keepdims=True))
        loss_ref[...] = loss


def _moe_call(x4, w1, b1, w2p, b2r, gates_all, part, interpret=False):
    b = x4.shape[0]
    nbt = b // TB
    grid = (G, nbt)
    out_shapes = (
        jax.ShapeDtypeStruct((b, G, OC, LP), jnp.float32),
        jax.ShapeDtypeStruct((1, 1), jnp.float32),
    )
    return pl.pallas_call(
        functools.partial(_moe_body, nbt=nbt),
        grid=grid,
        in_specs=[
            pl.BlockSpec((TB, 1, DIM, LL), lambda g, t: (t, g, 0, 0)),
            pl.BlockSpec((1, 3, DIM, OC), lambda g, t: (g, 0, 0, 0)),
            pl.BlockSpec((1, 1, OC), lambda g, t: (g, 0, 0)),
            pl.BlockSpec((1, NE, OC * OC), lambda g, t: (g, 0, 0)),
            pl.BlockSpec((1, NE, OC), lambda g, t: (g, 0, 0)),
            pl.BlockSpec((1, TB, NE), lambda g, t: (g, t, 0)),
            pl.BlockSpec((2, G, NE, NBLK * 16), lambda g, t: (0, 0, 0, 0)),
        ],
        out_specs=(
            pl.BlockSpec((TB, 1, OC, LP), lambda g, t: (t, g, 0, 0)),
            pl.BlockSpec((1, 1), lambda g, t: (0, 0)),
        ),
        out_shape=out_shapes,
        interpret=interpret,
    )(x4, w1, b1, w2p, b2r, gates_all, part)


def _run(x, conv1_w, conv1_b, conv2_w, conv2_b, w_gate, interpret=False):
    b = x.shape[0]
    x4 = x.reshape(b, G, DIM, LL)
    w1 = conv1_w.transpose(0, 3, 2, 1).astype(jnp.bfloat16)
    b1 = conv1_b.reshape(G, 1, OC)
    w2p = conv2_w[..., 0].reshape(G, OC, NE, OC).transpose(0, 2, 3, 1) \
        .reshape(G, NE, OC * OC).astype(jnp.bfloat16)
    b2r = conv2_b.reshape(G, OC, NE).transpose(0, 2, 1)
    wgr = lax.reduce_precision(w_gate.reshape(G, DIM * 5 * NE), 8, 7)
    xwin = lax.reduce_precision(
        x4[:, :, :, LL - 8:].reshape(b, G * DIM * 8), 8, 7)
    gates_all, part = _route_call(xwin, wgr, interpret=interpret)
    cf, loss2d = _moe_call(x4, w1, b1, w2p, b2r, gates_all,
                           part.reshape(2, G, NE, NBLK * 16),
                           interpret=interpret)
    return cf, loss2d[0, 0], gates_all.transpose(1, 2, 0)


def kernel(x, conv1_w, conv1_b, conv2_w, conv2_b, w_gate):
    return _run(x, conv1_w, conv1_b, conv2_w, conv2_b, w_gate)

# --- scband reference (transcript-rebuilt; emitter-appended) ---
"""Pipeline reference for scband-wo4-transformer-model-38783554683268 (READ-ONLY COPY).

The authoritative reference and input builder live on the scoring server;
editing this copy changes nothing except your own understanding.
"""

import jax, jax.numpy as jnp
import numpy as np

LIST_INPUT_DIM = [32, 32, 32, 32]
NUM_EXPERTS = 8
OUT_CH = 64
K = 4
B, L = 1024, 128


def cv_squared(v):
    v = v.astype(jnp.float32)
    if v.shape[0] == 1:
        return jnp.zeros(())
    return jnp.var(v, ddof=1) / (jnp.mean(v) ** 2 + 1e-10)


def setup_inputs(seed: int = 0) -> dict:
    key = jax.random.key(seed)
    ks = jax.random.split(key, 8)
    G = len(LIST_INPUT_DIM)
    dim = LIST_INPUT_DIM[0]
    x = jax.random.normal(ks[0], (B, sum(LIST_INPUT_DIM), L), dtype=jnp.float32)
    conv1_w = jax.random.normal(ks[1], (G, OUT_CH, dim, 3), dtype=jnp.float32) * 0.05
    conv1_b = jax.random.normal(ks[2], (G, OUT_CH), dtype=jnp.float32) * 0.01
    conv2_w = jax.random.normal(ks[3], (G, OUT_CH * NUM_EXPERTS, OUT_CH, 1), dtype=jnp.float32) * 0.05
    conv2_b = jax.random.normal(ks[4], (G, OUT_CH * NUM_EXPERTS), dtype=jnp.float32) * 0.01
    w_gate = jax.random.normal(ks[5], (G, dim * 5, NUM_EXPERTS), dtype=jnp.float32) * 0.1
    return {"x": x, "conv1_w": conv1_w, "conv1_b": conv1_b, "conv2_w": conv2_w, "conv2_b": conv2_b, "w_gate": w_gate}


def _conv1d(inp, w, b):
    out = jax.lax.conv_general_dilated(inp, w, (1,), 'VALID', dimension_numbers=('NCH', 'OIH', 'NCH'))
    return out + b[None, :, None]


def reference(x, conv1_w, conv1_b, conv2_w, conv2_b, w_gate):
    # Channel_Embedding.forward in eval mode (noisy_gating noise only at train time)
    idx = 0
    out_loss = jnp.zeros(())
    combs = []
    gates_list = []
    Bn = x.shape[0]
    for i, dim in enumerate(LIST_INPUT_DIM):
        input_x = x[:, idx:idx + dim, :]
        idx += dim
        gate_in = input_x[:, :, -6:-1].reshape(Bn, dim * 5)
        clean_logits = gate_in @ w_gate[i]
        logits = jax.nn.softmax(clean_logits, axis=1)
        top_logits, top_indices = jax.lax.top_k(logits, min(K + 1, NUM_EXPERTS))
        tk_l = top_logits[:, :K]
        tk_i = top_indices[:, :K]
        tk_g = tk_l / (jnp.sum(tk_l, axis=1, keepdims=True) + 1e-6)
        gates = jnp.zeros_like(logits).at[jnp.arange(Bn)[:, None], tk_i].set(tk_g)
        load = (gates > 0).sum(0)
        importance = gates.sum(0)
        loss = (cv_squared(importance) + cv_squared(load)) * 0.01
        out_loss = out_loss + loss
        h = jnp.tanh(_conv1d(input_x, conv1_w[i], conv1_b[i]))
        out_raw = _conv1d(h, conv2_w[i], conv2_b[i])
        Lp = out_raw.shape[-1]
        out_raw = jnp.transpose(out_raw, (0, 2, 1)).reshape(Bn, Lp, OUT_CH, NUM_EXPERTS)
        moe_out = jnp.einsum('BLDE,BE->BLD', out_raw, gates)
        moe_out = jnp.transpose(moe_out, (0, 2, 1))
        combs.append(moe_out[:, None])
        gates_list.append(gates[:, :, None])
    combine_features = jnp.concatenate(combs, axis=1)
    gates_cat = jnp.concatenate(gates_list, axis=-1)
    return combine_features, out_loss, gates_cat

if __name__ == "__main__":
    import jax
    _d = setup_inputs()
    print(jax.jit(kernel)(*tuple(_d.values())))

</pallas_src>

<mosaic_0001>
#map = affine_map<(d0, d1) -> (0, 0)>
#map1 = affine_map<(d0, d1) -> (0, 0, 0)>
#map2 = affine_map<(d0, d1) -> (0, 0, 0, 0, 0)>
module attributes {stable_mosaic.version = 14 : i64} {
  func.func @_route_body(%arg0: i32, %arg1: i32, %arg2: memref<1024x1024xf32, #tpu.memory_space<hbm>>, %arg3: memref<4x1280xf32, #tpu.memory_space<hbm>>, %arg4: memref<4x1024x8xf32, #tpu.memory_space<hbm>>, %arg5: memref<2x4x8x8x16xf32, #tpu.memory_space<hbm>>, %arg6: memref<128x256xf32, #tpu.memory_space<vmem>>, %arg7: memref<1280xf32, #tpu.memory_space<vmem>>, %arg8: memref<128x8xf32, #tpu.memory_space<vmem>>, %arg9: memref<2x8x16xf32, #tpu.memory_space<vmem>>, %arg10: memref<!tpu.dma_semaphore, #tpu.memory_space<semaphore_mem>>) attributes {dimension_semantics = [#tpu.dimension_semantics<core_parallel>, #tpu.dimension_semantics<subcore_parallel>], iteration_bounds = array<i64: 2, 16>, scalar_prefetch = 0 : i64, scratch_operands = 5 : i64, tpu.core_type = #tpu.core_type<sc_vector_subcore>, window_params = [{transform_indices = #map}, {transform_indices = #map}, {transform_indices = #map1}, {transform_indices = #map2}]} {
    %mul3A = arith.constant 2 : i32
    %mul3A_0 = arith.muli %arg1, %mul3A : i32
    %add3A = arith.addi %mul3A_0, %arg0 : i32
    %jit3A = arith.constant 8 : i32
    %div3A = arith.divsi %add3A, %jit3A : i32
    %sign3A = arith.constant 0 : i32
    %sign3A_1 = arith.cmpi sgt, %add3A, %sign3A : i32
    %sign3A_2 = arith.extui %sign3A_1 : i1 to i32
    %sign3A_3 = arith.constant 0 : i32
    %sign3A_4 = arith.cmpi slt, %add3A, %sign3A_3 : i32
    %sign3A_5 = arith.extui %sign3A_4 : i1 to i32
    %sign3A_6 = arith.subi %sign3A_2, %sign3A_5 : i32
    %sign3A_7 = arith.constant 0 : i32
    %sign3A_8 = arith.cmpi sgt, %jit3A, %sign3A_7 : i32
    %sign3A_9 = arith.extui %sign3A_8 : i1 to i32
    %sign3A_10 = arith.constant 0 : i32
    %sign3A_11 = arith.cmpi slt, %jit3A, %sign3A_10 : i32
    %sign3A_12 = arith.extui %sign3A_11 : i1 to i32
    %sign3A_13 = arith.subi %sign3A_9, %sign3A_12 : i32
    %ne3A = arith.cmpi ne, %sign3A_6, %sign3A_13 : i32
    %rem3A = arith.remsi %add3A, %jit3A : i32
    %ne3A_14 = arith.constant 0 : i32
    %ne3A_15 = arith.cmpi ne, %rem3A, %ne3A_14 : i32
    %and3A = arith.andi %ne3A, %ne3A_15 : i1
    %sub3A = arith.constant 1 : i32
    %sub3A_16 = arith.subi %div3A, %sub3A : i32
    %select_n3A = arith.select %and3A, %sub3A_16, %div3A : i32
    %jit3A_17 = arith.constant 8 : i32
    %eq3A = arith.constant 0 : i32
    %eq3A_18 = arith.cmpi eq, %jit3A_17, %eq3A : i32
    %jit3A_19 = arith.constant 1 : i32
    %select_n3A_20 = arith.select %eq3A_18, %jit3A_19, %jit3A_17 : i32
    %rem3A_21 = arith.remsi %add3A, %select_n3A_20 : i32
    %ne3A_22 = arith.constant 0 : i32
    %ne3A_23 = arith.cmpi ne, %rem3A_21, %ne3A_22 : i32
    %lt3A = arith.constant 0 : i32
    %lt3A_24 = arith.cmpi slt, %rem3A_21, %lt3A : i32
    %lt3A_25 = arith.constant 0 : i32
    %lt3A_26 = arith.cmpi slt, %select_n3A_20, %lt3A_25 : i32
    %ne3A_27 = arith.xori %lt3A_24, %lt3A_26 : i1
    %and3A_28 = arith.andi %ne3A_27, %ne3A_23 : i1
    %add3A_29 = arith.addi %rem3A_21, %select_n3A_20 : i32
    %select_n3A_30 = arith.select %and3A_28, %add3A_29, %rem3A_21 : i32
    %mul3A_31 = arith.constant 128 : i32
    %mul3A_32 = arith.muli %select_n3A_30, %mul3A_31 : i32
    %mul3A_33 = arith.constant 32 : i32
    %mul3A_34 = arith.muli %select_n3A, %mul3A_33 : i32
    %mul3A_35 = arith.constant 8 : i32
    %mul3A_36 = arith.muli %mul3A_34, %mul3A_35 : i32
    %dma_start3A = tpu.memref_slice %arg2[%mul3A_32, %mul3A_36] : memref<1024x1024xf32, #tpu.memory_space<hbm>> -> memref<128x256xf32, #tpu.memory_space<hbm>>
    %dma_start3A_37 = tpu.memref_slice %arg2[%mul3A_32, %mul3A_36] : memref<1024x1024xf32, #tpu.memory_space<hbm>> -> memref<128x256xf32, #tpu.memory_space<hbm>>
    tpu.enqueue_dma source(%dma_start3A_37 : memref<128x256xf32, #tpu.memory_space<hbm>>) target(%arg6 : memref<128x256xf32, #tpu.memory_space<vmem>>) target_semaphore(%arg10 : memref<!tpu.dma_semaphore, #tpu.memory_space<semaphore_mem>>)
    %dma_wait3A = tpu.memref_slice %arg2[%mul3A_32, %mul3A_36] : memref<1024x1024xf32, #tpu.memory_space<hbm>> -> memref<128x256xf32, #tpu.memory_space<hbm>>
    %dma_wait3A_38 = tpu.memref_slice %arg2[%mul3A_32, %mul3A_36] : memref<1024x1024xf32, #tpu.memory_space<hbm>> -> memref<128x256xf32, #tpu.memory_space<hbm>>
    tpu.wait_dma2 semaphore(%arg10 : memref<!tpu.dma_semaphore, #tpu.memory_space<semaphore_mem>>) src(%dma_wait3A_38 : memref<128x256xf32, #tpu.memory_space<hbm>>) dst(%arg6 : memref<128x256xf32, #tpu.memory_space<vmem>>)
    %dma_start3A_39 = arith.constant 0 : i32
    %dma_start3A_40 = tpu.memref_slice %arg3[%select_n3A, %dma_start3A_39] : memref<4x1280xf32, #tpu.memory_space<hbm>> -> memref<1x1280xf32, #tpu.memory_space<hbm>>
    %dma_start3A_41 = tpu.memref_squeeze %dma_start3A_40 : memref<1x1280xf32, #tpu.memory_space<hbm>> -> memref<1280xf32, #tpu.memory_space<hbm>>
    %dma_start3A_42 = arith.constant 0 : i32
    %dma_start3A_43 = tpu.memref_slice %arg3[%select_n3A, %dma_start3A_42] : memref<4x1280xf32, #tpu.memory_space<hbm>> -> memref<1x1280xf32, #tpu.memory_space<hbm>>
    %dma_start3A_44 = tpu.memref_squeeze %dma_start3A_43 : memref<1x1280xf32, #tpu.memory_space<hbm>> -> memref<1280xf32, #tpu.memory_space<hbm>>
    tpu.enqueue_dma source(%dma_start3A_44 : memref<1280xf32, #tpu.memory_space<hbm>>) target(%arg7 : memref<1280xf32, #tpu.memory_space<vmem>>) target_semaphore(%arg10 : memref<!tpu.dma_semaphore, #tpu.memory_space<semaphore_mem>>)
    %dma_wait3A_45 = arith.constant 0 : i32
    %dma_wait3A_46 = tpu.memref_slice %arg3[%select_n3A, %dma_wait3A_45] : memref<4x1280xf32, #tpu.memory_space<hbm>> -> memref<1x1280xf32, #tpu.memory_space<hbm>>
    %dma_wait3A_47 = tpu.memref_squeeze %dma_wait3A_46 : memref<1x1280xf32, #tpu.memory_space<hbm>> -> memref<1280xf32, #tpu.memory_space<hbm>>
    %dma_wait3A_48 = arith.constant 0 : i32
    %dma_wait3A_49 = tpu.memref_slice %arg3[%select_n3A, %dma_wait3A_48] : memref<4x1280xf32, #tpu.memory_space<hbm>> -> memref<1x1280xf32, #tpu.memory_space<hbm>>
    %dma_wait3A_50 = tpu.memref_squeeze %dma_wait3A_49 : memref<1x1280xf32, #tpu.memory_space<hbm>> -> memref<1280xf32, #tpu.memory_space<hbm>>
    tpu.wait_dma2 semaphore(%arg10 : memref<!tpu.dma_semaphore, #tpu.memory_space<semaphore_mem>>) src(%dma_wait3A_50 : memref<1280xf32, #tpu.memory_space<hbm>>) dst(%arg7 : memref<1280xf32, #tpu.memory_space<vmem>>)
    %broadcast_in_dim3A = arith.constant 0.000000e+00 : f32
    %broadcast_in_dim3A_51 = vector.broadcast %broadcast_in_dim3A : f32 to vector<16xf32>
    %swap3A = arith.constant 0 : i32
    %swap3A_52 = arith.constant 0 : i32
    %swap3A_53 = arith.index_cast %swap3A : i32 to index
    %swap3A_54 = arith.index_cast %swap3A_52 : i32 to index
    %swap3A_55 = arith.constant 0 : index
    %swap3A_56 = tpu.vector_load %arg9[%swap3A_53, %swap3A_54, %swap3A_55] {strides = array<i32>} : memref<2x8x16xf32, #tpu.memory_space<vmem>>, vector<16xf32>,
    tpu.vector_store %arg9[%swap3A_53, %swap3A_54, %swap3A_55], %broadcast_in_dim3A_51 {strides = array<i32>} : memref<2x8x16xf32, #tpu.memory_space<vmem>>, vector<16xf32>,
    %swap3A_57 = arith.constant 0 : i32
    %swap3A_58 = arith.constant 1 : i32
    %swap3A_59 = arith.index_cast %swap3A_57 : i32 to index
    %swap3A_60 = arith.index_cast %swap3A_58 : i32 to index
    %swap3A_61 = arith.constant 0 : index
    %swap3A_62 = tpu.vector_load %arg9[%swap3A_59, %swap3A_60, %swap3A_61] {strides = array<i32>} : memref<2x8x16xf32, #tpu.memory_space<vmem>>, vector<16xf32>,
    tpu.vector_store %arg9[%swap3A_59, %swap3A_60, %swap3A_61], %broadcast_in_dim3A_51 {strides = array<i32>} : memref<2x8x16xf32, #tpu.memory_space<vmem>>, vector<16xf32>,
    %swap3A_63 = arith.constant 0 : i32
    %swap3A_64 = arith.constant 2 : i32
    %swap3A_65 = arith.index_cast %swap3A_63 : i32 to index
    %swap3A_66 = arith.index_cast %swap3A_64 : i32 to index
    %swap3A_67 = arith.constant 0 : index
    %swap3A_68 = tpu.vector_load %arg9[%swap3A_65, %swap3A_66, %swap3A_67] {strides = array<i32>} : memref<2x8x16xf32, #tpu.memory_space<vmem>>, vector<16xf32>,
    tpu.vector_store %arg9[%swap3A_65, %swap3A_66, %swap3A_67], %broadcast_in_dim3A_51 {strides = array<i32>} : memref<2x8x16xf32, #tpu.memory_space<vmem>>, vector<16xf32>,
    %swap3A_69 = arith.constant 0 : i32
    %swap3A_70 = arith.constant 3 : i32
    %swap3A_71 = arith.index_cast %swap3A_69 : i32 to index
    %swap3A_72 = arith.index_cast %swap3A_70 : i32 to index
    %swap3A_73 = arith.constant 0 : index
    %swap3A_74 = tpu.vector_load %arg9[%swap3A_71, %swap3A_72, %swap3A_73] {strides = array<i32>} : memref<2x8x16xf32, #tpu.memory_space<vmem>>, vector<16xf32>,
    tpu.vector_store %arg9[%swap3A_71, %swap3A_72, %swap3A_73], %broadcast_in_dim3A_51 {strides = array<i32>} : memref<2x8x16xf32, #tpu.memory_space<vmem>>, vector<16xf32>,
    %swap3A_75 = arith.constant 0 : i32
    %swap3A_76 = arith.constant 4 : i32
    %swap3A_77 = arith.index_cast %swap3A_75 : i32 to index
    %swap3A_78 = arith.index_cast %swap3A_76 : i32 to index
    %swap3A_79 = arith.constant 0 : index
    %swap3A_80 = tpu.vector_load %arg9[%swap3A_77, %swap3A_78, %swap3A_79] {strides = array<i32>} : memref<2x8x16xf32, #tpu.memory_space<vmem>>, vector<16xf32>,
    tpu.vector_store %arg9[%swap3A_77, %swap3A_78, %swap3A_79], %broadcast_in_dim3A_51 {strides = array<i32>} : memref<2x8x16xf32, #tpu.memory_space<vmem>>, vector<16xf32>,
    %swap3A_81 = arith.constant 0 : i32
    %swap3A_82 = arith.constant 5 : i32
    %swap3A_83 = arith.index_cast %swap3A_81 : i32 to index
    %swap3A_84 = arith.index_cast %swap3A_82 : i32 to index
    %swap3A_85 = arith.constant 0 : index
    %swap3A_86 = tpu.vector_load %arg9[%swap3A_83, %swap3A_84, %swap3A_85] {strides = array<i32>} : memref<2x8x16xf32, #tpu.memory_space<vmem>>, vector<16xf32>,
    tpu.vector_store %arg9[%swap3A_83, %swap3A_84, %swap3A_85], %broadcast_in_dim3A_51 {strides = array<i32>} : memref<2x8x16xf32, #tpu.memory_space<vmem>>, vector<16xf32>,
    %swap3A_87 = arith.constant 0 : i32
    %swap3A_88 = arith.constant 6 : i32
    %swap3A_89 = arith.index_cast %swap3A_87 : i32 to index
    %swap3A_90 = arith.index_cast %swap3A_88 : i32 to index
    %swap3A_91 = arith.constant 0 : index
    %swap3A_92 = tpu.vector_load %arg9[%swap3A_89, %swap3A_90, %swap3A_91] {strides = array<i32>} : memref<2x8x16xf32, #tpu.memory_space<vmem>>, vector<16xf32>,
    tpu.vector_store %arg9[%swap3A_89, %swap3A_90, %swap3A_91], %broadcast_in_dim3A_51 {strides = array<i32>} : memref<2x8x16xf32, #tpu.memory_space<vmem>>, vector<16xf32>,
    %swap3A_93 = arith.constant 0 : i32
    %swap3A_94 = arith.constant 7 : i32
    %swap3A_95 = arith.index_cast %swap3A_93 : i32 to index
    %swap3A_96 = arith.index_cast %swap3A_94 : i32 to index
    %swap3A_97 = arith.constant 0 : index
    %swap3A_98 = tpu.vector_load %arg9[%swap3A_95, %swap3A_96, %swap3A_97] {strides = array<i32>} : memref<2x8x16xf32, #tpu.memory_space<vmem>>, vector<16xf32>,
    tpu.vector_store %arg9[%swap3A_95, %swap3A_96, %swap3A_97], %broadcast_in_dim3A_51 {strides = array<i32>} : memref<2x8x16xf32, #tpu.memory_space<vmem>>, vector<16xf32>,
    %swap3A_99 = arith.constant 1 : i32
    %swap3A_100 = arith.constant 0 : i32
    %swap3A_101 = arith.index_cast %swap3A_99 : i32 to index
    %swap3A_102 = arith.index_cast %swap3A_100 : i32 to index
    %swap3A_103 = arith.constant 0 : index
    %swap3A_104 = tpu.vector_load %arg9[%swap3A_101, %swap3A_102, %swap3A_103] {strides = array<i32>} : memref<2x8x16xf32, #tpu.memory_space<vmem>>, vector<16xf32>,
    tpu.vector_store %arg9[%swap3A_101, %swap3A_102, %swap3A_103], %broadcast_in_dim3A_51 {strides = array<i32>} : memref<2x8x16xf32, #tpu.memory_space<vmem>>, vector<16xf32>,
    %swap3A_105 = arith.constant 1 : i32
    %swap3A_106 = arith.constant 1 : i32
    %swap3A_107 = arith.index_cast %swap3A_105 : i32 to index
    %swap3A_108 = arith.index_cast %swap3A_106 : i32 to index
    %swap3A_109 = arith.constant 0 : index
    %swap3A_110 = tpu.vector_load %arg9[%swap3A_107, %swap3A_108, %swap3A_109] {strides = array<i32>} : memref<2x8x16xf32, #tpu.memory_space<vmem>>, vector<16xf32>,
    tpu.vector_store %arg9[%swap3A_107, %swap3A_108, %swap3A_109], %broadcast_in_dim3A_51 {strides = array<i32>} : memref<2x8x16xf32, #tpu.memory_space<vmem>>, vector<16xf32>,
    %swap3A_111 = arith.constant 1 : i32
    %swap3A_112 = arith.constant 2 : i32
    %swap3A_113 = arith.index_cast %swap3A_111 : i32 to index
    %swap3A_114 = arith.index_cast %swap3A_112 : i32 to index
    %swap3A_115 = arith.constant 0 : index
    %swap3A_116 = tpu.vector_load %arg9[%swap3A_113, %swap3A_114, %swap3A_115] {strides = array<i32>} : memref<2x8x16xf32, #tpu.memory_space<vmem>>, vector<16xf32>,
    tpu.vector_store %arg9[%swap3A_113, %swap3A_114, %swap3A_115], %broadcast_in_dim3A_51 {strides = array<i32>} : memref<2x8x16xf32, #tpu.memory_space<vmem>>, vector<16xf32>,
    %swap3A_117 = arith.constant 1 : i32
    %swap3A_118 = arith.constant 3 : i32
    %swap3A_119 = arith.index_cast %swap3A_117 : i32 to index
    %swap3A_120 = arith.index_cast %swap3A_118 : i32 to index
    %swap3A_121 = arith.constant 0 : index
    %swap3A_122 = tpu.vector_load %arg9[%swap3A_119, %swap3A_120, %swap3A_121] {strides = array<i32>} : memref<2x8x16xf32, #tpu.memory_space<vmem>>, vector<16xf32>,
    tpu.vector_store %arg9[%swap3A_119, %swap3A_120, %swap3A_121], %broadcast_in_dim3A_51 {strides = array<i32>} : memref<2x8x16xf32, #tpu.memory_space<vmem>>, vector<16xf32>,
    %swap3A_123 = arith.constant 1 : i32
    %swap3A_124 = arith.constant 4 : i32
    %swap3A_125 = arith.index_cast %swap3A_123 : i32 to index
    %swap3A_126 = arith.index_cast %swap3A_124 : i32 to index
    %swap3A_127 = arith.constant 0 : index
    %swap3A_128 = tpu.vector_load %arg9[%swap3A_125, %swap3A_126, %swap3A_127] {strides = array<i32>} : memref<2x8x16xf32, #tpu.memory_space<vmem>>, vector<16xf32>,
    tpu.vector_store %arg9[%swap3A_125, %swap3A_126, %swap3A_127], %broadcast_in_dim3A_51 {strides = array<i32>} : memref<2x8x16xf32, #tpu.memory_space<vmem>>, vector<16xf32>,
    %swap3A_129 = arith.constant 1 : i32
    %swap3A_130 = arith.constant 5 : i32
    %swap3A_131 = arith.index_cast %swap3A_129 : i32 to index
    %swap3A_132 = arith.index_cast %swap3A_130 : i32 to index
    %swap3A_133 = arith.constant 0 : index
    %swap3A_134 = tpu.vector_load %arg9[%swap3A_131, %swap3A_132, %swap3A_133] {strides = array<i32>} : memref<2x8x16xf32, #tpu.memory_space<vmem>>, vector<16xf32>,
    tpu.vector_store %arg9[%swap3A_131, %swap3A_132, %swap3A_133], %broadcast_in_dim3A_51 {strides = array<i32>} : memref<2x8x16xf32, #tpu.memory_space<vmem>>, vector<16xf32>,
    %swap3A_135 = arith.constant 1 : i32
    %swap3A_136 = arith.constant 6 : i32
    %swap3A_137 = arith.index_cast %swap3A_135 : i32 to index
    %swap3A_138 = arith.index_cast %swap3A_136 : i32 to index
    %swap3A_139 = arith.constant 0 : index
    %swap3A_140 = tpu.vector_load %arg9[%swap3A_137, %swap3A_138, %swap3A_139] {strides = array<i32>} : memref<2x8x16xf32, #tpu.memory_space<vmem>>, vector<16xf32>,
    tpu.vector_store %arg9[%swap3A_137, %swap3A_138, %swap3A_139], %broadcast_in_dim3A_51 {strides = array<i32>} : memref<2x8x16xf32, #tpu.memory_space<vmem>>, vector<16xf32>,
    %swap3A_141 = arith.constant 1 : i32
    %swap3A_142 = arith.constant 7 : i32
    %swap3A_143 = arith.index_cast %swap3A_141 : i32 to index
    %swap3A_144 = arith.index_cast %swap3A_142 : i32 to index
    %swap3A_145 = arith.constant 0 : index
    %swap3A_146 = tpu.vector_load %arg9[%swap3A_143, %swap3A_144, %swap3A_145] {strides = array<i32>} : memref<2x8x16xf32, #tpu.memory_space<vmem>>, vector<16xf32>,
    tpu.vector_store %arg9[%swap3A_143, %swap3A_144, %swap3A_145], %broadcast_in_dim3A_51 {strides = array<i32>} : memref<2x8x16xf32, #tpu.memory_space<vmem>>, vector<16xf32>,
    %iota3A = tpu.iota {dimensions = array<i32: 0>} : vector<16xi32>
    %scan3A = arith.constant 0 : i32
    %scan3A_147 = arith.constant 8 : i32
    %scan3A_148 = arith.addi %scan3A, %scan3A_147 : i32
    %scan3A_149 = arith.constant 1 : i32
    scf.for %scan3A_151 = %scan3A to %scan3A_148 step %scan3A_149  : i32 {
      %mul3A_152 = arith.constant 16 : i32
      %mul3A_153 = arith.muli %scan3A_151, %mul3A_152 : i32
      %add3A_154 = vector.broadcast %mul3A_153 : i32 to vector<16xi32>
      %add3A_155 = arith.addi %add3A_154, %iota3A : vector<16xi32>
      %scan3A_156 = arith.constant 0 : i32
      %scan3A_157 = arith.constant 32 : i32
      %scan3A_158 = arith.addi %scan3A_156, %scan3A_157 : i32
      %scan3A_159 = arith.constant 1 : i32
      %scan3A_160:8 = scf.for %scan3A_677 = %scan3A_156 to %scan3A_158 step %scan3A_159 iter_args(%scan3A_678 = %broadcast_in_dim3A_51, %scan3A_679 = %broadcast_in_dim3A_51, %scan3A_680 = %broadcast_in_dim3A_51, %scan3A_681 = %broadcast_in_dim3A_51, %scan3A_682 = %broadcast_in_dim3A_51, %scan3A_683 = %broadcast_in_dim3A_51, %scan3A_684 = %broadcast_in_dim3A_51, %scan3A_685 = %broadcast_in_dim3A_51) -> (vector<16xf32>, vector<16xf32>, vector<16xf32>, vector<16xf32>, vector<16xf32>, vector<16xf32>, vector<16xf32>, vector<16xf32>)  : i32 {
        %mul3A_686 = arith.constant 8 : i32
        %mul3A_687 = arith.muli %scan3A_677, %mul3A_686 : i32
        %add3A_688 = arith.constant 0 : i32
        %add3A_689 = arith.addi %mul3A_687, %add3A_688 : i32
        %add3A_690 = arith.constant 2 : i32
        %add3A_691 = arith.addi %add3A_689, %add3A_690 : i32
        %broadcast_in_dim3A_692 = vector.broadcast %add3A_691 : i32 to vector<16xi32>
        %gather3A = tpu.vector_load_idx %arg6[%add3A_155, %broadcast_in_dim3A_692] : memref<128x256xf32, #tpu.memory_space<vmem>>[vector<16xi32>, vector<16xi32>], vector<16xf32>,
        %mul3A_693 = arith.constant 40 : i32
        %mul3A_694 = arith.muli %scan3A_677, %mul3A_693 : i32
        %add3A_695 = arith.constant 0 : i32
        %add3A_696 = arith.addi %mul3A_694, %add3A_695 : i32
        %add3A_697 = arith.constant 0 : i32
        %add3A_698 = arith.addi %add3A_696, %add3A_697 : i32
        %broadcast_in_dim3A_699 = vector.broadcast %add3A_698 : i32 to vector<16xi32>
        %gather3A_700 = tpu.vector_load_idx %arg7[%broadcast_in_dim3A_699] : memref<1280xf32, #tpu.memory_space<vmem>>[vector<16xi32>], vector<16xf32>,
        %mul3A_701 = arith.mulf %gather3A, %gather3A_700 : vector<16xf32>
        %add3A_702 = arith.addf %scan3A_678, %mul3A_701 : vector<16xf32>
        %add3A_703 = arith.constant 1 : i32
        %add3A_704 = arith.addi %add3A_696, %add3A_703 : i32
        %broadcast_in_dim3A_705 = vector.broadcast %add3A_704 : i32 to vector<16xi32>
        %gather3A_706 = tpu.vector_load_idx %arg7[%broadcast_in_dim3A_705] : memref<1280xf32, #tpu.memory_space<vmem>>[vector<16xi32>], vector<16xf32>,
        %mul3A_707 = arith.mulf %gather3A, %gather3A_706 : vector<16xf32>
        %add3A_708 = arith.addf %scan3A_679, %mul3A_707 : vector<16xf32>
        %add3A_709 = arith.constant 2 : i32
        %add3A_710 = arith.addi %add3A_696, %add3A_709 : i32
        %broadcast_in_dim3A_711 = vector.broadcast %add3A_710 : i32 to vector<16xi32>
        %gather3A_712 = tpu.vector_load_idx %arg7[%broadcast_in_dim3A_711] : memref<1280xf32, #tpu.memory_space<vmem>>[vector<16xi32>], vector<16xf32>,
        %mul3A_713 = arith.mulf %gather3A, %gather3A_712 : vector<16xf32>
        %add3A_714 = arith.addf %scan3A_680, %mul3A_713 : vector<16xf32>
        %add3A_715 = arith.constant 3 : i32
        %add3A_716 = arith.addi %add3A_696, %add3A_715 : i32
        %broadcast_in_dim3A_717 = vector.broadcast %add3A_716 : i32 to vector<16xi32>
        %gather3A_718 = tpu.vector_load_idx %arg7[%broadcast_in_dim3A_717] : memref<1280xf32, #tpu.memory_space<vmem>>[vector<16xi32>], vector<16xf32>,
        %mul3A_719 = arith.mulf %gather3A, %gather3A_718 : vector<16xf32>
        %add3A_720 = arith.addf %scan3A_681, %mul3A_719 : vector<16xf32>
        %add3A_721 = arith.constant 4 : i32
        %add3A_722 = arith.addi %add3A_696, %add3A_721 : i32
        %broadcast_in_dim3A_723 = vector.broadcast %add3A_722 : i32 to vector<16xi32>
        %gather3A_724 = tpu.vector_load_idx %arg7[%broadcast_in_dim3A_723] : memref<1280xf32, #tpu.memory_space<vmem>>[vector<16xi32>], vector<16xf32>,
        %mul3A_725 = arith.mulf %gather3A, %gather3A_724 : vector<16xf32>
        %add3A_726 = arith.addf %scan3A_682, %mul3A_725 : vector<16xf32>
        %add3A_727 = arith.constant 5 : i32
        %add3A_728 = arith.addi %add3A_696, %add3A_727 : i32
        %broadcast_in_dim3A_729 = vector.broadcast %add3A_728 : i32 to vector<16xi32>
        %gather3A_730 = tpu.vector_load_idx %arg7[%broadcast_in_dim3A_729] : memref<1280xf32, #tpu.memory_space<vmem>>[vector<16xi32>], vector<16xf32>,
        %mul3A_731 = arith.mulf %gather3A, %gather3A_730 : vector<16xf32>
        %add3A_732 = arith.addf %scan3A_683, %mul3A_731 : vector<16xf32>
        %add3A_733 = arith.constant 6 : i32
        %add3A_734 = arith.addi %add3A_696, %add3A_733 : i32
        %broadcast_in_dim3A_735 = vector.broadcast %add3A_734 : i32 to vector<16xi32>
        %gather3A_736 = tpu.vector_load_idx %arg7[%broadcast_in_dim3A_735] : memref<1280xf32, #tpu.memory_space<vmem>>[vector<16xi32>], vector<16xf32>,
        %mul3A_737 = arith.mulf %gather3A, %gather3A_736 : vector<16xf32>
        %add3A_738 = arith.addf %scan3A_684, %mul3A_737 : vector<16xf32>
        %add3A_739 = arith.constant 7 : i32
        %add3A_740 = arith.addi %add3A_696, %add3A_739 : i32
        %broadcast_in_dim3A_741 = vector.broadcast %add3A_740 : i32 to vector<16xi32>
        %gather3A_742 = tpu.vector_load_idx %arg7[%broadcast_in_dim3A_741] : memref<1280xf32, #tpu.memory_space<vmem>>[vector<16xi32>], vector<16xf32>,
        %mul3A_743 = arith.mulf %gather3A, %gather3A_742 : vector<16xf32>
        %add3A_744 = arith.addf %scan3A_685, %mul3A_743 : vector<16xf32>
        %mul3A_745 = arith.constant 8 : i32
        %mul3A_746 = arith.muli %scan3A_677, %mul3A_745 : i32
        %add3A_747 = arith.constant 1 : i32
        %add3A_748 = arith.addi %mul3A_746, %add3A_747 : i32
        %add3A_749 = arith.constant 2 : i32
        %add3A_750 = arith.addi %add3A_748, %add3A_749 : i32
        %broadcast_in_dim3A_751 = vector.broadcast %add3A_750 : i32 to vector<16xi32>
        %gather3A_752 = tpu.vector_load_idx %arg6[%add3A_155, %broadcast_in_dim3A_751] : memref<128x256xf32, #tpu.memory_space<vmem>>[vector<16xi32>, vector<16xi32>], vector<16xf32>,
        %mul3A_753 = arith.constant 40 : i32
        %mul3A_754 = arith.muli %scan3A_677, %mul3A_753 : i32
        %add3A_755 = arith.constant 8 : i32
        %add3A_756 = arith.addi %mul3A_754, %add3A_755 : i32
        %add3A_757 = arith.constant 0 : i32
        %add3A_758 = arith.addi %add3A_756, %add3A_757 : i32
        %broadcast_in_dim3A_759 = vector.broadcast %add3A_758 : i32 to vector<16xi32>
        %gather3A_760 = tpu.vector_load_idx %arg7[%broadcast_in_dim3A_759] : memref<1280xf32, #tpu.memory_space<vmem>>[vector<16xi32>], vector<16xf32>,
        %mul3A_761 = arith.mulf %gather3A_752, %gather3A_760 : vector<16xf32>
        %add3A_762 = arith.addf %add3A_702, %mul3A_761 : vector<16xf32>
        %add3A_763 = arith.constant 1 : i32
        %add3A_764 = arith.addi %add3A_756, %add3A_763 : i32
        %broadcast_in_dim3A_765 = vector.broadcast %add3A_764 : i32 to vector<16xi32>
        %gather3A_766 = tpu.vector_load_idx %arg7[%broadcast_in_dim3A_765] : memref<1280xf32, #tpu.memory_space<vmem>>[vector<16xi32>], vector<16xf32>,
        %mul3A_767 = arith.mulf %gather3A_752, %gather3A_766 : vector<16xf32>
        %add3A_768 = arith.addf %add3A_708, %mul3A_767 : vector<16xf32>
        %add3A_769 = arith.constant 2 : i32
        %add3A_770 = arith.addi %add3A_756, %add3A_769 : i32
        %broadcast_in_dim3A_771 = vector.broadcast %add3A_770 : i32 to vector<16xi32>
        %gather3A_772 = tpu.vector_load_idx %arg7[%broadcast_in_dim3A_771] : memref<1280xf32, #tpu.memory_space<vmem>>[vector<16xi32>], vector<16xf32>,
        %mul3A_773 = arith.mulf %gather3A_752, %gather3A_772 : vector<16xf32>
        %add3A_774 = arith.addf %add3A_714, %mul3A_773 : vector<16xf32>
        %add3A_775 = arith.constant 3 : i32
        %add3A_776 = arith.addi %add3A_756, %add3A_775 : i32
        %broadcast_in_dim3A_777 = vector.broadcast %add3A_776 : i32 to vector<16xi32>
        %gather3A_778 = tpu.vector_load_idx %arg7[%broadcast_in_dim3A_777] : memref<1280xf32, #tpu.memory_space<vmem>>[vector<16xi32>], vector<16xf32>,
        %mul3A_779 = arith.mulf %gather3A_752, %gather3A_778 : vector<16xf32>
        %add3A_780 = arith.addf %add3A_720, %mul3A_779 : vector<16xf32>
        %add3A_781 = arith.constant 4 : i32
        %add3A_782 = arith.addi %add3A_756, %add3A_781 : i32
        %broadcast_in_dim3A_783 = vector.broadcast %add3A_782 : i32 to vector<16xi32>
        %gather3A_784 = tpu.vector_load_idx %arg7[%broadcast_in_dim3A_783] : memref<1280xf32, #tpu.memory_space<vmem>>[vector<16xi32>], vector<16xf32>,
        %mul3A_785 = arith.mulf %gather3A_752, %gather3A_784 : vector<16xf32>
        %add3A_786 = arith.addf %add3A_726, %mul3A_785 : vector<16xf32>
        %add3A_787 = arith.constant 5 : i32
        %add3A_788 = arith.addi %add3A_756, %add3A_787 : i32
        %broadcast_in_dim3A_789 = vector.broadcast %add3A_788 : i32 to vector<16xi32>
        %gather3A_790 = tpu.vector_load_idx %arg7[%broadcast_in_dim3A_789] : memref<1280xf32, #tpu.memory_space<vmem>>[vector<16xi32>], vector<16xf32>,
        %mul3A_791 = arith.mulf %gather3A_752, %gather3A_790 : vector<16xf32>
        %add3A_792 = arith.addf %add3A_732, %mul3A_791 : vector<16xf32>
        %add3A_793 = arith.constant 6 : i32
        %add3A_794 = arith.addi %add3A_756, %add3A_793 : i32
        %broadcast_in_dim3A_795 = vector.broadcast %add3A_794 : i32 to vector<16xi32>
        %gather3A_796 = tpu.vector_load_idx %arg7[%broadcast_in_dim3A_795] : memref<1280xf32, #tpu.memory_space<vmem>>[vector<16xi32>], vector<16xf32>,
        %mul3A_797 = arith.mulf %gather3A_752, %gather3A_796 : vector<16xf32>
        %add3A_798 = arith.addf %add3A_738, %mul3A_797 : vector<16xf32>
        %add3A_799 = arith.constant 7 : i32
        %add3A_800 = arith.addi %add3A_756, %add3A_799 : i32
        %broadcast_in_dim3A_801 = vector.broadcast %add3A_800 : i32 to vector<16xi32>
        %gather3A_802 = tpu.vector_load_idx %arg7[%broadcast_in_dim3A_801] : memref<1280xf32, #tpu.memory_space<vmem>>[vector<16xi32>], vector<16xf32>,
        %mul3A_803 = arith.mulf %gather3A_752, %gather3A_802 : vector<16xf32>
        %add3A_804 = arith.addf %add3A_744, %mul3A_803 : vector<16xf32>
        %mul3A_805 = arith.constant 8 : i32
        %mul3A_806 = arith.muli %scan3A_677, %mul3A_805 : i32
        %add3A_807 = arith.constant 2 : i32
        %add3A_808 = arith.addi %mul3A_806, %add3A_807 : i32
        %add3A_809 = arith.constant 2 : i32
        %add3A_810 = arith.addi %add3A_808, %add3A_809 : i32
        %broadcast_in_dim3A_811 = vector.broadcast %add3A_810 : i32 to vector<16xi32>
        %gather3A_812 = tpu.vector_load_idx %arg6[%add3A_155, %broadcast_in_dim3A_811] : memref<128x256xf32, #tpu.memory_space<vmem>>[vector<16xi32>, vector<16xi32>], vector<16xf32>,
        %mul3A_813 = arith.constant 40 : i32
        %mul3A_814 = arith.muli %scan3A_677, %mul3A_813 : i32
        %add3A_815 = arith.constant 16 : i32
        %add3A_816 = arith.addi %mul3A_814, %add3A_815 : i32
        %add3A_817 = arith.constant 0 : i32
        %add3A_818 = arith.addi %add3A_816, %add3A_817 : i32
        %broadcast_in_dim3A_819 = vector.broadcast %add3A_818 : i32 to vector<16xi32>
        %gather3A_820 = tpu.vector_load_idx %arg7[%broadcast_in_dim3A_819] : memref<1280xf32, #tpu.memory_space<vmem>>[vector<16xi32>], vector<16xf32>,
        %mul3A_821 = arith.mulf %gather3A_812, %gather3A_820 : vector<16xf32>
        %add3A_822 = arith.addf %add3A_762, %mul3A_821 : vector<16xf32>
        %add3A_823 = arith.constant 1 : i32
        %add3A_824 = arith.addi %add3A_816, %add3A_823 : i32
        %broadcast_in_dim3A_825 = vector.broadcast %add3A_824 : i32 to vector<16xi32>
        %gather3A_826 = tpu.vector_load_idx %arg7[%broadcast_in_dim3A_825] : memref<1280xf32, #tpu.memory_space<vmem>>[vector<16xi32>], vector<16xf32>,
        %mul3A_827 = arith.mulf %gather3A_812, %gather3A_826 : vector<16xf32>
        %add3A_828 = arith.addf %add3A_768, %mul3A_827 : vector<16xf32>
        %add3A_829 = arith.constant 2 : i32
        %add3A_830 = arith.addi %add3A_816, %add3A_829 : i32
        %broadcast_in_dim3A_831 = vector.broadcast %add3A_830 : i32 to vector<16xi32>
        %gather3A_832 = tpu.vector_load_idx %arg7[%broadcast_in_dim3A_831] : memref<1280xf32, #tpu.memory_space<vmem>>[vector<16xi32>], vector<16xf32>,
        %mul3A_833 = arith.mulf %gather3A_812, %gather3A_832 : vector<16xf32>
        %add3A_834 = arith.addf %add3A_774, %mul3A_833 : vector<16xf32>
        %add3A_835 = arith.constant 3 : i32
        %add3A_836 = arith.addi %add3A_816, %add3A_835 : i32
        %broadcast_in_dim3A_837 = vector.broadcast %add3A_836 : i32 to vector<16xi32>
        %gather3A_838 = tpu.vector_load_idx %arg7[%broadcast_in_dim3A_837] : memref<1280xf32, #tpu.memory_space<vmem>>[vector<16xi32>], vector<16xf32>,
        %mul3A_839 = arith.mulf %gather3A_812, %gather3A_838 : vector<16xf32>
        %add3A_840 = arith.addf %add3A_780, %mul3A_839 : vector<16xf32>
        %add3A_841 = arith.constant 4 : i32
        %add3A_842 = arith.addi %add3A_816, %add3A_841 : i32
        %broadcast_in_dim3A_843 = vector.broadcast %add3A_842 : i32 to vector<16xi32>
        %gather3A_844 = tpu.vector_load_idx %arg7[%broadcast_in_dim3A_843] : memref<1280xf32, #tpu.memory_space<vmem>>[vector<16xi32>], vector<16xf32>,
        %mul3A_845 = arith.mulf %gather3A_812, %gather3A_844 : vector<16xf32>
        %add3A_846 = arith.addf %add3A_786, %mul3A_845 : vector<16xf32>
        %add3A_847 = arith.constant 5 : i32
        %add3A_848 = arith.addi %add3A_816, %add3A_847 : i32
        %broadcast_in_dim3A_849 = vector.broadcast %add3A_848 : i32 to vector<16xi32>
        %gather3A_850 = tpu.vector_load_idx %arg7[%broadcast_in_dim3A_849] : memref<1280xf32, #tpu.memory_space<vmem>>[vector<16xi32>], vector<16xf32>,
        %mul3A_851 = arith.mulf %gather3A_812, %gather3A_850 : vector<16xf32>
        %add3A_852 = arith.addf %add3A_792, %mul3A_851 : vector<16xf32>
        %add3A_853 = arith.constant 6 : i32
        %add3A_854 = arith.addi %add3A_816, %add3A_853 : i32
        %broadcast_in_dim3A_855 = vector.broadcast %add3A_854 : i32 to vector<16xi32>
        %gather3A_856 = tpu.vector_load_idx %arg7[%broadcast_in_dim3A_855] : memref<1280xf32, #tpu.memory_space<vmem>>[vector<16xi32>], vector<16xf32>,
        %mul3A_857 = arith.mulf %gather3A_812, %gather3A_856 : vector<16xf32>
        %add3A_858 = arith.addf %add3A_798, %mul3A_857 : vector<16xf32>
        %add3A_859 = arith.constant 7 : i32
        %add3A_860 = arith.addi %add3A_816, %add3A_859 : i32
        %broadcast_in_dim3A_861 = vector.broadcast %add3A_860 : i32 to vector<16xi32>
        %gather3A_862 = tpu.vector_load_idx %arg7[%broadcast_in_dim3A_861] : memref<1280xf32, #tpu.memory_space<vmem>>[vector<16xi32>], vector<16xf32>,
        %mul3A_863 = arith.mulf %gather3A_812, %gather3A_862 : vector<16xf32>
        %add3A_864 = arith.addf %add3A_804, %mul3A_863 : vector<16xf32>
        %mul3A_865 = arith.constant 8 : i32
        %mul3A_866 = arith.muli %scan3A_677, %mul3A_865 : i32
        %add3A_867 = arith.constant 3 : i32
        %add3A_868 = arith.addi %mul3A_866, %add3A_867 : i32
        %add3A_869 = arith.constant 2 : i32
        %add3A_870 = arith.addi %add3A_868, %add3A_869 : i32
        %broadcast_in_dim3A_871 = vector.broadcast %add3A_870 : i32 to vector<16xi32>
        %gather3A_872 = tpu.vector_load_idx %arg6[%add3A_155, %broadcast_in_dim3A_871] : memref<128x256xf32, #tpu.memory_space<vmem>>[vector<16xi32>, vector<16xi32>], vector<16xf32>,
        %mul3A_873 = arith.constant 40 : i32
        %mul3A_874 = arith.muli %scan3A_677, %mul3A_873 : i32
        %add3A_875 = arith.constant 24 : i32
        %add3A_876 = arith.addi %mul3A_874, %add3A_875 : i32
        %add3A_877 = arith.constant 0 : i32
        %add3A_878 = arith.addi %add3A_876, %add3A_877 : i32
        %broadcast_in_dim3A_879 = vector.broadcast %add3A_878 : i32 to vector<16xi32>
        %gather3A_880 = tpu.vector_load_idx %arg7[%broadcast_in_dim3A_879] : memref<1280xf32, #tpu.memory_space<vmem>>[vector<16xi32>], vector<16xf32>,
        %mul3A_881 = arith.mulf %gather3A_872, %gather3A_880 : vector<16xf32>
        %add3A_882 = arith.addf %add3A_822, %mul3A_881 : vector<16xf32>
        %add3A_883 = arith.constant 1 : i32
        %add3A_884 = arith.addi %add3A_876, %add3A_883 : i32
        %broadcast_in_dim3A_885 = vector.broadcast %add3A_884 : i32 to vector<16xi32>
        %gather3A_886 = tpu.vector_load_idx %arg7[%broadcast_in_dim3A_885] : memref<1280xf32, #tpu.memory_space<vmem>>[vector<16xi32>], vector<16xf32>,
        %mul3A_887 = arith.mulf %gather3A_872, %gather3A_886 : vector<16xf32>
        %add3A_888 = arith.addf %add3A_828, %mul3A_887 : vector<16xf32>
        %add3A_889 = arith.constant 2 : i32
        %add3A_890 = arith.addi %add3A_876, %add3A_889 : i32
        %broadcast_in_dim3A_891 = vector.broadcast %add3A_890 : i32 to vector<16xi32>
        %gather3A_892 = tpu.vector_load_idx %arg7[%broadcast_in_dim3A_891] : memref<1280xf32, #tpu.memory_space<vmem>>[vector<16xi32>], vector<16xf32>,
        %mul3A_893 = arith.mulf %gather3A_872, %gather3A_892 : vector<16xf32>
        %add3A_894 = arith.addf %add3A_834, %mul3A_893 : vector<16xf32>
        %add3A_895 = arith.constant 3 : i32
        %add3A_896 = arith.addi %add3A_876, %add3A_895 : i32
        %broadcast_in_dim3A_897 = vector.broadcast %add3A_896 : i32 to vector<16xi32>
        %gather3A_898 = tpu.vector_load_idx %arg7[%broadcast_in_dim3A_897] : memref<1280xf32, #tpu.memory_space<vmem>>[vector<16xi32>], vector<16xf32>,
        %mul3A_899 = arith.mulf %gather3A_872, %gather3A_898 : vector<16xf32>
        %add3A_900 = arith.addf %add3A_840, %mul3A_899 : vector<16xf32>
        %add3A_901 = arith.constant 4 : i32
        %add3A_902 = arith.addi %add3A_876, %add3A_901 : i32
        %broadcast_in_dim3A_903 = vector.broadcast %add3A_902 : i32 to vector<16xi32>
        %gather3A_904 = tpu.vector_load_idx %arg7[%broadcast_in_dim3A_903] : memref<1280xf32, #tpu.memory_space<vmem>>[vector<16xi32>], vector<16xf32>,
        %mul3A_905 = arith.mulf %gather3A_872, %gather3A_904 : vector<16xf32>
        %add3A_906 = arith.addf %add3A_846, %mul3A_905 : vector<16xf32>
        %add3A_907 = arith.constant 5 : i32
        %add3A_908 = arith.addi %add3A_876, %add3A_907 : i32
        %broadcast_in_dim3A_909 = vector.broadcast %add3A_908 : i32 to vector<16xi32>
        %gather3A_910 = tpu.vector_load_idx %arg7[%broadcast_in_dim3A_909] : memref<1280xf32, #tpu.memory_space<vmem>>[vector<16xi32>], vector<16xf32>,
        %mul3A_911 = arith.mulf %gather3A_872, %gather3A_910 : vector<16xf32>
        %add3A_912 = arith.addf %add3A_852, %mul3A_911 : vector<16xf32>
        %add3A_913 = arith.constant 6 : i32
        %add3A_914 = arith.addi %add3A_876, %add3A_913 : i32
        %broadcast_in_dim3A_915 = vector.broadcast %add3A_914 : i32 to vector<16xi32>
        %gather3A_916 = tpu.vector_load_idx %arg7[%broadcast_in_dim3A_915] : memref<1280xf32, #tpu.memory_space<vmem>>[vector<16xi32>], vector<16xf32>,
        %mul3A_917 = arith.mulf %gather3A_872, %gather3A_916 : vector<16xf32>
        %add3A_918 = arith.addf %add3A_858, %mul3A_917 : vector<16xf32>
        %add3A_919 = arith.constant 7 : i32
        %add3A_920 = arith.addi %add3A_876, %add3A_919 : i32
        %broadcast_in_dim3A_921 = vector.broadcast %add3A_920 : i32 to vector<16xi32>
        %gather3A_922 = tpu.vector_load_idx %arg7[%broadcast_in_dim3A_921] : memref<1280xf32, #tpu.memory_space<vmem>>[vector<16xi32>], vector<16xf32>,
        %mul3A_923 = arith.mulf %gather3A_872, %gather3A_922 : vector<16xf32>
        %add3A_924 = arith.addf %add3A_864, %mul3A_923 : vector<16xf32>
        %mul3A_925 = arith.constant 8 : i32
        %mul3A_926 = arith.muli %scan3A_677, %mul3A_925 : i32
        %add3A_927 = arith.constant 4 : i32
        %add3A_928 = arith.addi %mul3A_926, %add3A_927 : i32
        %add3A_929 = arith.constant 2 : i32
        %add3A_930 = arith.addi %add3A_928, %add3A_929 : i32
        %broadcast_in_dim3A_931 = vector.broadcast %add3A_930 : i32 to vector<16xi32>
        %gather3A_932 = tpu.vector_load_idx %arg6[%add3A_155, %broadcast_in_dim3A_931] : memref<128x256xf32, #tpu.memory_space<vmem>>[vector<16xi32>, vector<16xi32>], vector<16xf32>,
        %mul3A_933 = arith.constant 40 : i32
        %mul3A_934 = arith.muli %scan3A_677, %mul3A_933 : i32
        %add3A_935 = arith.constant 32 : i32
        %add3A_936 = arith.addi %mul3A_934, %add3A_935 : i32
        %add3A_937 = arith.constant 0 : i32
        %add3A_938 = arith.addi %add3A_936, %add3A_937 : i32
        %broadcast_in_dim3A_939 = vector.broadcast %add3A_938 : i32 to vector<16xi32>
        %gather3A_940 = tpu.vector_load_idx %arg7[%broadcast_in_dim3A_939] : memref<1280xf32, #tpu.memory_space<vmem>>[vector<16xi32>], vector<16xf32>,
        %mul3A_941 = arith.mulf %gather3A_932, %gather3A_940 : vector<16xf32>
        %add3A_942 = arith.addf %add3A_882, %mul3A_941 : vector<16xf32>
        %add3A_943 = arith.constant 1 : i32
        %add3A_944 = arith.addi %add3A_936, %add3A_943 : i32
        %broadcast_in_dim3A_945 = vector.broadcast %add3A_944 : i32 to vector<16xi32>
        %gather3A_946 = tpu.vector_load_idx %arg7[%broadcast_in_dim3A_945] : memref<1280xf32, #tpu.memory_space<vmem>>[vector<16xi32>], vector<16xf32>,
        %mul3A_947 = arith.mulf %gather3A_932, %gather3A_946 : vector<16xf32>
        %add3A_948 = arith.addf %add3A_888, %mul3A_947 : vector<16xf32>
        %add3A_949 = arith.constant 2 : i32
        %add3A_950 = arith.addi %add3A_936, %add3A_949 : i32
        %broadcast_in_dim3A_951 = vector.broadcast %add3A_950 : i32 to vector<16xi32>
        %gather3A_952 = tpu.vector_load_idx %arg7[%broadcast_in_dim3A_951] : memref<1280xf32, #tpu.memory_space<vmem>>[vector<16xi32>], vector<16xf32>,
        %mul3A_953 = arith.mulf %gather3A_932, %gather3A_952 : vector<16xf32>
        %add3A_954 = arith.addf %add3A_894, %mul3A_953 : vector<16xf32>
        %add3A_955 = arith.constant 3 : i32
        %add3A_956 = arith.addi %add3A_936, %add3A_955 : i32
        %broadcast_in_dim3A_957 = vector.broadcast %add3A_956 : i32 to vector<16xi32>
        %gather3A_958 = tpu.vector_load_idx %arg7[%broadcast_in_dim3A_957] : memref<1280xf32, #tpu.memory_space<vmem>>[vector<16xi32>], vector<16xf32>,
        %mul3A_959 = arith.mulf %gather3A_932, %gather3A_958 : vector<16xf32>
        %add3A_960 = arith.addf %add3A_900, %mul3A_959 : vector<16xf32>
        %add3A_961 = arith.constant 4 : i32
        %add3A_962 = arith.addi %add3A_936, %add3A_961 : i32
        %broadcast_in_dim3A_963 = vector.broadcast %add3A_962 : i32 to vector<16xi32>
        %gather3A_964 = tpu.vector_load_idx %arg7[%broadcast_in_dim3A_963] : memref<1280xf32, #tpu.memory_space<vmem>>[vector<16xi32>], vector<16xf32>,
        %mul3A_965 = arith.mulf %gather3A_932, %gather3A_964 : vector<16xf32>
        %add3A_966 = arith.addf %add3A_906, %mul3A_965 : vector<16xf32>
        %add3A_967 = arith.constant 5 : i32
        %add3A_968 = arith.addi %add3A_936, %add3A_967 : i32
        %broadcast_in_dim3A_969 = vector.broadcast %add3A_968 : i32 to vector<16xi32>
        %gather3A_970 = tpu.vector_load_idx %arg7[%broadcast_in_dim3A_969] : memref<1280xf32, #tpu.memory_space<vmem>>[vector<16xi32>], vector<16xf32>,
        %mul3A_971 = arith.mulf %gather3A_932, %gather3A_970 : vector<16xf32>
        %add3A_972 = arith.addf %add3A_912, %mul3A_971 : vector<16xf32>
        %add3A_973 = arith.constant 6 : i32
        %add3A_974 = arith.addi %add3A_936, %add3A_973 : i32
        %broadcast_in_dim3A_975 = vector.broadcast %add3A_974 : i32 to vector<16xi32>
        %gather3A_976 = tpu.vector_load_idx %arg7[%broadcast_in_dim3A_975] : memref<1280xf32, #tpu.memory_space<vmem>>[vector<16xi32>], vector<16xf32>,
        %mul3A_977 = arith.mulf %gather3A_932, %gather3A_976 : vector<16xf32>
        %add3A_978 = arith.addf %add3A_918, %mul3A_977 : vector<16xf32>
        %add3A_979 = arith.constant 7 : i32
        %add3A_980 = arith.addi %add3A_936, %add3A_979 : i32
        %broadcast_in_dim3A_981 = vector.broadcast %add3A_980 : i32 to vector<16xi32>
        %gather3A_982 = tpu.vector_load_idx %arg7[%broadcast_in_dim3A_981] : memref<1280xf32, #tpu.memory_space<vmem>>[vector<16xi32>], vector<16xf32>,
        %mul3A_983 = arith.mulf %gather3A_932, %gather3A_982 : vector<16xf32>
        %add3A_984 = arith.addf %add3A_924, %mul3A_983 : vector<16xf32>
        scf.yield %add3A_942, %add3A_948, %add3A_954, %add3A_960, %add3A_966, %add3A_972, %add3A_978, %add3A_984 : vector<16xf32>, vector<16xf32>, vector<16xf32>, vector<16xf32>, vector<16xf32>, vector<16xf32>, vector<16xf32>, vector<16xf32>
      }
      %scan3A_161 = arith.constant 32 : i32
      %max3A = arith.maximumf %scan3A_160#0, %scan3A_160#1 : vector<16xf32>
      %max3A_162 = arith.maximumf %max3A, %scan3A_160#2 : vector<16xf32>
      %max3A_163 = arith.maximumf %max3A_162, %scan3A_160#3 : vector<16xf32>
      %max3A_164 = arith.maximumf %max3A_163, %scan3A_160#4 : vector<16xf32>
      %max3A_165 = arith.maximumf %max3A_164, %scan3A_160#5 : vector<16xf32>
      %max3A_166 = arith.maximumf %max3A_165, %scan3A_160#6 : vector<16xf32>
      %max3A_167 = arith.maximumf %max3A_166, %scan3A_160#7 : vector<16xf32>
      %sub3A_168 = arith.subf %scan3A_160#0, %max3A_167 : vector<16xf32>
      %exp3A = math.exp %sub3A_168 : vector<16xf32>
      %sub3A_169 = arith.subf %scan3A_160#1, %max3A_167 : vector<16xf32>
      %exp3A_170 = math.exp %sub3A_169 : vector<16xf32>
      %sub3A_171 = arith.subf %scan3A_160#2, %max3A_167 : vector<16xf32>
      %exp3A_172 = math.exp %sub3A_171 : vector<16xf32>
      %sub3A_173 = arith.subf %scan3A_160#3, %max3A_167 : vector<16xf32>
      %exp3A_174 = math.exp %sub3A_173 : vector<16xf32>
      %sub3A_175 = arith.subf %scan3A_160#4, %max3A_167 : vector<16xf32>
      %exp3A_176 = math.exp %sub3A_175 : vector<16xf32>
      %sub3A_177 = arith.subf %scan3A_160#5, %max3A_167 : vector<16xf32>
      %exp3A_178 = math.exp %sub3A_177 : vector<16xf32>
      %sub3A_179 = arith.subf %scan3A_160#6, %max3A_167 : vector<16xf32>
      %exp3A_180 = math.exp %sub3A_179 : vector<16xf32>
      %sub3A_181 = arith.subf %scan3A_160#7, %max3A_167 : vector<16xf32>
      %exp3A_182 = math.exp %sub3A_181 : vector<16xf32>
      %add3A_183 = arith.addf %exp3A, %exp3A_170 : vector<16xf32>
      %add3A_184 = arith.addf %add3A_183, %exp3A_172 : vector<16xf32>
      %add3A_185 = arith.addf %add3A_184, %exp3A_174 : vector<16xf32>
      %add3A_186 = arith.addf %add3A_185, %exp3A_176 : vector<16xf32>
      %add3A_187 = arith.addf %add3A_186, %exp3A_178 : vector<16xf32>
      %add3A_188 = arith.addf %add3A_187, %exp3A_180 : vector<16xf32>
      %add3A_189 = arith.addf %add3A_188, %exp3A_182 : vector<16xf32>
      %div3A_190 = arith.divf %exp3A, %add3A_189 : vector<16xf32>
      %div3A_191 = arith.divf %exp3A_170, %add3A_189 : vector<16xf32>
      %div3A_192 = arith.divf %exp3A_172, %add3A_189 : vector<16xf32>
      %div3A_193 = arith.divf %exp3A_174, %add3A_189 : vector<16xf32>
      %div3A_194 = arith.divf %exp3A_176, %add3A_189 : vector<16xf32>
      %div3A_195 = arith.divf %exp3A_178, %add3A_189 : vector<16xf32>
      %div3A_196 = arith.divf %exp3A_180, %add3A_189 : vector<16xf32>
      %div3A_197 = arith.divf %exp3A_182, %add3A_189 : vector<16xf32>
      %broadcast_in_dim3A_198 = arith.constant false
      %broadcast_in_dim3A_199 = vector.broadcast %broadcast_in_dim3A_198 : i1 to vector<16xi1>
      %broadcast_in_dim3A_200 = arith.constant false
      %broadcast_in_dim3A_201 = vector.broadcast %broadcast_in_dim3A_200 : i1 to vector<16xi1>
      %broadcast_in_dim3A_202 = arith.constant false
      %broadcast_in_dim3A_203 = vector.broadcast %broadcast_in_dim3A_202 : i1 to vector<16xi1>
      %broadcast_in_dim3A_204 = arith.constant false
      %broadcast_in_dim3A_205 = vector.broadcast %broadcast_in_dim3A_204 : i1 to vector<16xi1>
      %broadcast_in_dim3A_206 = arith.constant false
      %broadcast_in_dim3A_207 = vector.broadcast %broadcast_in_dim3A_206 : i1 to vector<16xi1>
      %broadcast_in_dim3A_208 = arith.constant false
      %broadcast_in_dim3A_209 = vector.broadcast %broadcast_in_dim3A_208 : i1 to vector<16xi1>
      %broadcast_in_dim3A_210 = arith.constant false
      %broadcast_in_dim3A_211 = vector.broadcast %broadcast_in_dim3A_210 : i1 to vector<16xi1>
      %broadcast_in_dim3A_212 = arith.constant false
      %broadcast_in_dim3A_213 = vector.broadcast %broadcast_in_dim3A_212 : i1 to vector<16xi1>
      %broadcast_in_dim3A_214 = arith.constant -1.000000e+30 : f32
      %broadcast_in_dim3A_215 = vector.broadcast %broadcast_in_dim3A_214 : f32 to vector<16xf32>
      %max3A_216 = arith.maximumf %div3A_190, %div3A_191 : vector<16xf32>
      %max3A_217 = arith.maximumf %max3A_216, %div3A_192 : vector<16xf32>
      %max3A_218 = arith.maximumf %max3A_217, %div3A_193 : vector<16xf32>
      %max3A_219 = arith.maximumf %max3A_218, %div3A_194 : vector<16xf32>
      %max3A_220 = arith.maximumf %max3A_219, %div3A_195 : vector<16xf32>
      %max3A_221 = arith.maximumf %max3A_220, %div3A_196 : vector<16xf32>
      %max3A_222 = arith.maximumf %max3A_221, %div3A_197 : vector<16xf32>
      %broadcast_in_dim3A_223 = arith.constant false
      %broadcast_in_dim3A_224 = vector.broadcast %broadcast_in_dim3A_223 : i1 to vector<16xi1>
      %eq3A_225 = arith.cmpf oeq, %div3A_190, %max3A_222 : vector<16xf32>
      %not3A = arith.constant dense<true> : vector<16xi1>
      %not3A_226 = arith.xori %broadcast_in_dim3A_224, %not3A : vector<16xi1>
      %and3A_227 = arith.andi %eq3A_225, %not3A_226 : vector<16xi1>
      %or3A = arith.ori %broadcast_in_dim3A_224, %and3A_227 : vector<16xi1>
      %or3A_228 = arith.ori %broadcast_in_dim3A_199, %and3A_227 : vector<16xi1>
      %select_n3A_229 = arith.select %and3A_227, %broadcast_in_dim3A_215, %div3A_190 : vector<16xi1>, vector<16xf32>
      %eq3A_230 = arith.cmpf oeq, %div3A_191, %max3A_222 : vector<16xf32>
      %not3A_231 = arith.constant dense<true> : vector<16xi1>
      %not3A_232 = arith.xori %or3A, %not3A_231 : vector<16xi1>
      %and3A_233 = arith.andi %eq3A_230, %not3A_232 : vector<16xi1>
      %or3A_234 = arith.ori %or3A, %and3A_233 : vector<16xi1>
      %or3A_235 = arith.ori %broadcast_in_dim3A_201, %and3A_233 : vector<16xi1>
      %select_n3A_236 = arith.select %and3A_233, %broadcast_in_dim3A_215, %div3A_191 : vector<16xi1>, vector<16xf32>
      %eq3A_237 = arith.cmpf oeq, %div3A_192, %max3A_222 : vector<16xf32>
      %not3A_238 = arith.constant dense<true> : vector<16xi1>
      %not3A_239 = arith.xori %or3A_234, %not3A_238 : vector<16xi1>
      %and3A_240 = arith.andi %eq3A_237, %not3A_239 : vector<16xi1>
      %or3A_241 = arith.ori %or3A_234, %and3A_240 : vector<16xi1>
      %or3A_242 = arith.ori %broadcast_in_dim3A_203, %and3A_240 : vector<16xi1>
      %select_n3A_243 = arith.select %and3A_240, %broadcast_in_dim3A_215, %div3A_192 : vector<16xi1>, vector<16xf32>
      %eq3A_244 = arith.cmpf oeq, %div3A_193, %max3A_222 : vector<16xf32>
      %not3A_245 = arith.constant dense<true> : vector<16xi1>
      %not3A_246 = arith.xori %or3A_241, %not3A_245 : vector<16xi1>
      %and3A_247 = arith.andi %eq3A_244, %not3A_246 : vector<16xi1>
      %or3A_248 = arith.ori %or3A_241, %and3A_247 : vector<16xi1>
      %or3A_249 = arith.ori %broadcast_in_dim3A_205, %and3A_247 : vector<16xi1>
      %select_n3A_250 = arith.select %and3A_247, %broadcast_in_dim3A_215, %div3A_193 : vector<16xi1>, vector<16xf32>
      %eq3A_251 = arith.cmpf oeq, %div3A_194, %max3A_222 : vector<16xf32>
      %not3A_252 = arith.constant dense<true> : vector<16xi1>
      %not3A_253 = arith.xori %or3A_248, %not3A_252 : vector<16xi1>
      %and3A_254 = arith.andi %eq3A_251, %not3A_253 : vector<16xi1>
      %or3A_255 = arith.ori %or3A_248, %and3A_254 : vector<16xi1>
      %or3A_256 = arith.ori %broadcast_in_dim3A_207, %and3A_254 : vector<16xi1>
      %select_n3A_257 = arith.select %and3A_254, %broadcast_in_dim3A_215, %div3A_194 : vector<16xi1>, vector<16xf32>
      %eq3A_258 = arith.cmpf oeq, %div3A_195, %max3A_222 : vector<16xf32>
      %not3A_259 = arith.constant dense<true> : vector<16xi1>
      %not3A_260 = arith.xori %or3A_255, %not3A_259 : vector<16xi1>
      %and3A_261 = arith.andi %eq3A_258, %not3A_260 : vector<16xi1>
      %or3A_262 = arith.ori %or3A_255, %and3A_261 : vector<16xi1>
      %or3A_263 = arith.ori %broadcast_in_dim3A_209, %and3A_261 : vector<16xi1>
      %select_n3A_264 = arith.select %and3A_261, %broadcast_in_dim3A_215, %div3A_195 : vector<16xi1>, vector<16xf32>
      %eq3A_265 = arith.cmpf oeq, %div3A_196, %max3A_222 : vector<16xf32>
      %not3A_266 = arith.constant dense<true> : vector<16xi1>
      %not3A_267 = arith.xori %or3A_262, %not3A_266 : vector<16xi1>
      %and3A_268 = arith.andi %eq3A_265, %not3A_267 : vector<16xi1>
      %or3A_269 = arith.ori %or3A_262, %and3A_268 : vector<16xi1>
      %or3A_270 = arith.ori %broadcast_in_dim3A_211, %and3A_268 : vector<16xi1>
      %select_n3A_271 = arith.select %and3A_268, %broadcast_in_dim3A_215, %div3A_196 : vector<16xi1>, vector<16xf32>
      %eq3A_272 = arith.cmpf oeq, %div3A_197, %max3A_222 : vector<16xf32>
      %not3A_273 = arith.constant dense<true> : vector<16xi1>
      %not3A_274 = arith.xori %or3A_269, %not3A_273 : vector<16xi1>
      %and3A_275 = arith.andi %eq3A_272, %not3A_274 : vector<16xi1>
      %or3A_276 = arith.ori %or3A_269, %and3A_275 : vector<16xi1>
      %or3A_277 = arith.ori %broadcast_in_dim3A_213, %and3A_275 : vector<16xi1>
      %select_n3A_278 = arith.select %and3A_275, %broadcast_in_dim3A_215, %div3A_197 : vector<16xi1>, vector<16xf32>
      %max3A_279 = arith.maximumf %select_n3A_229, %select_n3A_236 : vector<16xf32>
      %max3A_280 = arith.maximumf %max3A_279, %select_n3A_243 : vector<16xf32>
      %max3A_281 = arith.maximumf %max3A_280, %select_n3A_250 : vector<16xf32>
      %max3A_282 = arith.maximumf %max3A_281, %select_n3A_257 : vector<16xf32>
      %max3A_283 = arith.maximumf %max3A_282, %select_n3A_264 : vector<16xf32>
      %max3A_284 = arith.maximumf %max3A_283, %select_n3A_271 : vector<16xf32>
      %max3A_285 = arith.maximumf %max3A_284, %select_n3A_278 : vector<16xf32>
      %broadcast_in_dim3A_286 = arith.constant false
      %broadcast_in_dim3A_287 = vector.broadcast %broadcast_in_dim3A_286 : i1 to vector<16xi1>
      %eq3A_288 = arith.cmpf oeq, %select_n3A_229, %max3A_285 : vector<16xf32>
      %not3A_289 = arith.constant dense<true> : vector<16xi1>
      %not3A_290 = arith.xori %broadcast_in_dim3A_287, %not3A_289 : vector<16xi1>
      %and3A_291 = arith.andi %eq3A_288, %not3A_290 : vector<16xi1>
      %or3A_292 = arith.ori %broadcast_in_dim3A_287, %and3A_291 : vector<16xi1>
      %or3A_293 = arith.ori %or3A_228, %and3A_291 : vector<16xi1>
      %select_n3A_294 = arith.select %and3A_291, %broadcast_in_dim3A_215, %select_n3A_229 : vector<16xi1>, vector<16xf32>
      %eq3A_295 = arith.cmpf oeq, %select_n3A_236, %max3A_285 : vector<16xf32>
      %not3A_296 = arith.constant dense<true> : vector<16xi1>
      %not3A_297 = arith.xori %or3A_292, %not3A_296 : vector<16xi1>
      %and3A_298 = arith.andi %eq3A_295, %not3A_297 : vector<16xi1>
      %or3A_299 = arith.ori %or3A_292, %and3A_298 : vector<16xi1>
      %or3A_300 = arith.ori %or3A_235, %and3A_298 : vector<16xi1>
      %select_n3A_301 = arith.select %and3A_298, %broadcast_in_dim3A_215, %select_n3A_236 : vector<16xi1>, vector<16xf32>
      %eq3A_302 = arith.cmpf oeq, %select_n3A_243, %max3A_285 : vector<16xf32>
      %not3A_303 = arith.constant dense<true> : vector<16xi1>
      %not3A_304 = arith.xori %or3A_299, %not3A_303 : vector<16xi1>
      %and3A_305 = arith.andi %eq3A_302, %not3A_304 : vector<16xi1>
      %or3A_306 = arith.ori %or3A_299, %and3A_305 : vector<16xi1>
      %or3A_307 = arith.ori %or3A_242, %and3A_305 : vector<16xi1>
      %select_n3A_308 = arith.select %and3A_305, %broadcast_in_dim3A_215, %select_n3A_243 : vector<16xi1>, vector<16xf32>
      %eq3A_309 = arith.cmpf oeq, %select_n3A_250, %max3A_285 : vector<16xf32>
      %not3A_310 = arith.constant dense<true> : vector<16xi1>
      %not3A_311 = arith.xori %or3A_306, %not3A_310 : vector<16xi1>
      %and3A_312 = arith.andi %eq3A_309, %not3A_311 : vector<16xi1>
      %or3A_313 = arith.ori %or3A_306, %and3A_312 : vector<16xi1>
      %or3A_314 = arith.ori %or3A_249, %and3A_312 : vector<16xi1>
      %select_n3A_315 = arith.select %and3A_312, %broadcast_in_dim3A_215, %select_n3A_250 : vector<16xi1>, vector<16xf32>
      %eq3A_316 = arith.cmpf oeq, %select_n3A_257, %max3A_285 : vector<16xf32>
      %not3A_317 = arith.constant dense<true> : vector<16xi1>
      %not3A_318 = arith.xori %or3A_313, %not3A_317 : vector<16xi1>
      %and3A_319 = arith.andi %eq3A_316, %not3A_318 : vector<16xi1>
      %or3A_320 = arith.ori %or3A_313, %and3A_319 : vector<16xi1>
      %or3A_321 = arith.ori %or3A_256, %and3A_319 : vector<16xi1>
      %select_n3A_322 = arith.select %and3A_319, %broadcast_in_dim3A_215, %select_n3A_257 : vector<16xi1>, vector<16xf32>
      %eq3A_323 = arith.cmpf oeq, %select_n3A_264, %max3A_285 : vector<16xf32>
      %not3A_324 = arith.constant dense<true> : vector<16xi1>
      %not3A_325 = arith.xori %or3A_320, %not3A_324 : vector<16xi1>
      %and3A_326 = arith.andi %eq3A_323, %not3A_325 : vector<16xi1>
      %or3A_327 = arith.ori %or3A_320, %and3A_326 : vector<16xi1>
      %or3A_328 = arith.ori %or3A_263, %and3A_326 : vector<16xi1>
      %select_n3A_329 = arith.select %and3A_326, %broadcast_in_dim3A_215, %select_n3A_264 : vector<16xi1>, vector<16xf32>
      %eq3A_330 = arith.cmpf oeq, %select_n3A_271, %max3A_285 : vector<16xf32>
      %not3A_331 = arith.constant dense<true> : vector<16xi1>
      %not3A_332 = arith.xori %or3A_327, %not3A_331 : vector<16xi1>
      %and3A_333 = arith.andi %eq3A_330, %not3A_332 : vector<16xi1>
      %or3A_334 = arith.ori %or3A_327, %and3A_333 : vector<16xi1>
      %or3A_335 = arith.ori %or3A_270, %and3A_333 : vector<16xi1>
      %select_n3A_336 = arith.select %and3A_333, %broadcast_in_dim3A_215, %select_n3A_271 : vector<16xi1>, vector<16xf32>
      %eq3A_337 = arith.cmpf oeq, %select_n3A_278, %max3A_285 : vector<16xf32>
      %not3A_338 = arith.constant dense<true> : vector<16xi1>
      %not3A_339 = arith.xori %or3A_334, %not3A_338 : vector<16xi1>
      %and3A_340 = arith.andi %eq3A_337, %not3A_339 : vector<16xi1>
      %or3A_341 = arith.ori %or3A_334, %and3A_340 : vector<16xi1>
      %or3A_342 = arith.ori %or3A_277, %and3A_340 : vector<16xi1>
      %select_n3A_343 = arith.select %and3A_340, %broadcast_in_dim3A_215, %select_n3A_278 : vector<16xi1>, vector<16xf32>
      %max3A_344 = arith.maximumf %select_n3A_294, %select_n3A_301 : vector<16xf32>
      %max3A_345 = arith.maximumf %max3A_344, %select_n3A_308 : vector<16xf32>
      %max3A_346 = arith.maximumf %max3A_345, %select_n3A_315 : vector<16xf32>
      %max3A_347 = arith.maximumf %max3A_346, %select_n3A_322 : vector<16xf32>
      %max3A_348 = arith.maximumf %max3A_347, %select_n3A_329 : vector<16xf32>
      %max3A_349 = arith.maximumf %max3A_348, %select_n3A_336 : vector<16xf32>
      %max3A_350 = arith.maximumf %max3A_349, %select_n3A_343 : vector<16xf32>
      %broadcast_in_dim3A_351 = arith.constant false
      %broadcast_in_dim3A_352 = vector.broadcast %broadcast_in_dim3A_351 : i1 to vector<16xi1>
      %eq3A_353 = arith.cmpf oeq, %select_n3A_294, %max3A_350 : vector<16xf32>
      %not3A_354 = arith.constant dense<true> : vector<16xi1>
      %not3A_355 = arith.xori %broadcast_in_dim3A_352, %not3A_354 : vector<16xi1>
      %and3A_356 = arith.andi %eq3A_353, %not3A_355 : vector<16xi1>
      %or3A_357 = arith.ori %broadcast_in_dim3A_352, %and3A_356 : vector<16xi1>
      %or3A_358 = arith.ori %or3A_293, %and3A_356 : vector<16xi1>
      %select_n3A_359 = arith.select %and3A_356, %broadcast_in_dim3A_215, %select_n3A_294 : vector<16xi1>, vector<16xf32>
      %eq3A_360 = arith.cmpf oeq, %select_n3A_301, %max3A_350 : vector<16xf32>
      %not3A_361 = arith.constant dense<true> : vector<16xi1>
      %not3A_362 = arith.xori %or3A_357, %not3A_361 : vector<16xi1>
      %and3A_363 = arith.andi %eq3A_360, %not3A_362 : vector<16xi1>
      %or3A_364 = arith.ori %or3A_357, %and3A_363 : vector<16xi1>
      %or3A_365 = arith.ori %or3A_300, %and3A_363 : vector<16xi1>
      %select_n3A_366 = arith.select %and3A_363, %broadcast_in_dim3A_215, %select_n3A_301 : vector<16xi1>, vector<16xf32>
      %eq3A_367 = arith.cmpf oeq, %select_n3A_308, %max3A_350 : vector<16xf32>
      %not3A_368 = arith.constant dense<true> : vector<16xi1>
      %not3A_369 = arith.xori %or3A_364, %not3A_368 : vector<16xi1>
      %and3A_370 = arith.andi %eq3A_367, %not3A_369 : vector<16xi1>
      %or3A_371 = arith.ori %or3A_364, %and3A_370 : vector<16xi1>
      %or3A_372 = arith.ori %or3A_307, %and3A_370 : vector<16xi1>
      %select_n3A_373 = arith.select %and3A_370, %broadcast_in_dim3A_215, %select_n3A_308 : vector<16xi1>, vector<16xf32>
      %eq3A_374 = arith.cmpf oeq, %select_n3A_315, %max3A_350 : vector<16xf32>
      %not3A_375 = arith.constant dense<true> : vector<16xi1>
      %not3A_376 = arith.xori %or3A_371, %not3A_375 : vector<16xi1>
      %and3A_377 = arith.andi %eq3A_374, %not3A_376 : vector<16xi1>
      %or3A_378 = arith.ori %or3A_371, %and3A_377 : vector<16xi1>
      %or3A_379 = arith.ori %or3A_314, %and3A_377 : vector<16xi1>
      %select_n3A_380 = arith.select %and3A_377, %broadcast_in_dim3A_215, %select_n3A_315 : vector<16xi1>, vector<16xf32>
      %eq3A_381 = arith.cmpf oeq, %select_n3A_322, %max3A_350 : vector<16xf32>
      %not3A_382 = arith.constant dense<true> : vector<16xi1>
      %not3A_383 = arith.xori %or3A_378, %not3A_382 : vector<16xi1>
      %and3A_384 = arith.andi %eq3A_381, %not3A_383 : vector<16xi1>
      %or3A_385 = arith.ori %or3A_378, %and3A_384 : vector<16xi1>
      %or3A_386 = arith.ori %or3A_321, %and3A_384 : vector<16xi1>
      %select_n3A_387 = arith.select %and3A_384, %broadcast_in_dim3A_215, %select_n3A_322 : vector<16xi1>, vector<16xf32>
      %eq3A_388 = arith.cmpf oeq, %select_n3A_329, %max3A_350 : vector<16xf32>
      %not3A_389 = arith.constant dense<true> : vector<16xi1>
      %not3A_390 = arith.xori %or3A_385, %not3A_389 : vector<16xi1>
      %and3A_391 = arith.andi %eq3A_388, %not3A_390 : vector<16xi1>
      %or3A_392 = arith.ori %or3A_385, %and3A_391 : vector<16xi1>
      %or3A_393 = arith.ori %or3A_328, %and3A_391 : vector<16xi1>
      %select_n3A_394 = arith.select %and3A_391, %broadcast_in_dim3A_215, %select_n3A_329 : vector<16xi1>, vector<16xf32>
      %eq3A_395 = arith.cmpf oeq, %select_n3A_336, %max3A_350 : vector<16xf32>
      %not3A_396 = arith.constant dense<true> : vector<16xi1>
      %not3A_397 = arith.xori %or3A_392, %not3A_396 : vector<16xi1>
      %and3A_398 = arith.andi %eq3A_395, %not3A_397 : vector<16xi1>
      %or3A_399 = arith.ori %or3A_392, %and3A_398 : vector<16xi1>
      %or3A_400 = arith.ori %or3A_335, %and3A_398 : vector<16xi1>
      %select_n3A_401 = arith.select %and3A_398, %broadcast_in_dim3A_215, %select_n3A_336 : vector<16xi1>, vector<16xf32>
      %eq3A_402 = arith.cmpf oeq, %select_n3A_343, %max3A_350 : vector<16xf32>
      %not3A_403 = arith.constant dense<true> : vector<16xi1>
      %not3A_404 = arith.xori %or3A_399, %not3A_403 : vector<16xi1>
      %and3A_405 = arith.andi %eq3A_402, %not3A_404 : vector<16xi1>
      %or3A_406 = arith.ori %or3A_399, %and3A_405 : vector<16xi1>
      %or3A_407 = arith.ori %or3A_342, %and3A_405 : vector<16xi1>
      %select_n3A_408 = arith.select %and3A_405, %broadcast_in_dim3A_215, %select_n3A_343 : vector<16xi1>, vector<16xf32>
      %max3A_409 = arith.maximumf %select_n3A_359, %select_n3A_366 : vector<16xf32>
      %max3A_410 = arith.maximumf %max3A_409, %select_n3A_373 : vector<16xf32>
      %max3A_411 = arith.maximumf %max3A_410, %select_n3A_380 : vector<16xf32>
      %max3A_412 = arith.maximumf %max3A_411, %select_n3A_387 : vector<16xf32>
      %max3A_413 = arith.maximumf %max3A_412, %select_n3A_394 : vector<16xf32>
      %max3A_414 = arith.maximumf %max3A_413, %select_n3A_401 : vector<16xf32>
      %max3A_415 = arith.maximumf %max3A_414, %select_n3A_408 : vector<16xf32>
      %broadcast_in_dim3A_416 = arith.constant false
      %broadcast_in_dim3A_417 = vector.broadcast %broadcast_in_dim3A_416 : i1 to vector<16xi1>
      %eq3A_418 = arith.cmpf oeq, %select_n3A_359, %max3A_415 : vector<16xf32>
      %not3A_419 = arith.constant dense<true> : vector<16xi1>
      %not3A_420 = arith.xori %broadcast_in_dim3A_417, %not3A_419 : vector<16xi1>
      %and3A_421 = arith.andi %eq3A_418, %not3A_420 : vector<16xi1>
      %or3A_422 = arith.ori %broadcast_in_dim3A_417, %and3A_421 : vector<16xi1>
      %or3A_423 = arith.ori %or3A_358, %and3A_421 : vector<16xi1>
      %select_n3A_424 = arith.select %and3A_421, %broadcast_in_dim3A_215, %select_n3A_359 : vector<16xi1>, vector<16xf32>
      %eq3A_425 = arith.cmpf oeq, %select_n3A_366, %max3A_415 : vector<16xf32>
      %not3A_426 = arith.constant dense<true> : vector<16xi1>
      %not3A_427 = arith.xori %or3A_422, %not3A_426 : vector<16xi1>
      %and3A_428 = arith.andi %eq3A_425, %not3A_427 : vector<16xi1>
      %or3A_429 = arith.ori %or3A_422, %and3A_428 : vector<16xi1>
      %or3A_430 = arith.ori %or3A_365, %and3A_428 : vector<16xi1>
      %select_n3A_431 = arith.select %and3A_428, %broadcast_in_dim3A_215, %select_n3A_366 : vector<16xi1>, vector<16xf32>
      %eq3A_432 = arith.cmpf oeq, %select_n3A_373, %max3A_415 : vector<16xf32>
      %not3A_433 = arith.constant dense<true> : vector<16xi1>
      %not3A_434 = arith.xori %or3A_429, %not3A_433 : vector<16xi1>
      %and3A_435 = arith.andi %eq3A_432, %not3A_434 : vector<16xi1>
      %or3A_436 = arith.ori %or3A_429, %and3A_435 : vector<16xi1>
      %or3A_437 = arith.ori %or3A_372, %and3A_435 : vector<16xi1>
      %select_n3A_438 = arith.select %and3A_435, %broadcast_in_dim3A_215, %select_n3A_373 : vector<16xi1>, vector<16xf32>
      %eq3A_439 = arith.cmpf oeq, %select_n3A_380, %max3A_415 : vector<16xf32>
      %not3A_440 = arith.constant dense<true> : vector<16xi1>
      %not3A_441 = arith.xori %or3A_436, %not3A_440 : vector<16xi1>
      %and3A_442 = arith.andi %eq3A_439, %not3A_441 : vector<16xi1>
      %or3A_443 = arith.ori %or3A_436, %and3A_442 : vector<16xi1>
      %or3A_444 = arith.ori %or3A_379, %and3A_442 : vector<16xi1>
      %select_n3A_445 = arith.select %and3A_442, %broadcast_in_dim3A_215, %select_n3A_380 : vector<16xi1>, vector<16xf32>
      %eq3A_446 = arith.cmpf oeq, %select_n3A_387, %max3A_415 : vector<16xf32>
      %not3A_447 = arith.constant dense<true> : vector<16xi1>
      %not3A_448 = arith.xori %or3A_443, %not3A_447 : vector<16xi1>
      %and3A_449 = arith.andi %eq3A_446, %not3A_448 : vector<16xi1>
      %or3A_450 = arith.ori %or3A_443, %and3A_449 : vector<16xi1>
      %or3A_451 = arith.ori %or3A_386, %and3A_449 : vector<16xi1>
      %select_n3A_452 = arith.select %and3A_449, %broadcast_in_dim3A_215, %select_n3A_387 : vector<16xi1>, vector<16xf32>
      %eq3A_453 = arith.cmpf oeq, %select_n3A_394, %max3A_415 : vector<16xf32>
      %not3A_454 = arith.constant dense<true> : vector<16xi1>
      %not3A_455 = arith.xori %or3A_450, %not3A_454 : vector<16xi1>
      %and3A_456 = arith.andi %eq3A_453, %not3A_455 : vector<16xi1>
      %or3A_457 = arith.ori %or3A_450, %and3A_456 : vector<16xi1>
      %or3A_458 = arith.ori %or3A_393, %and3A_456 : vector<16xi1>
      %select_n3A_459 = arith.select %and3A_456, %broadcast_in_dim3A_215, %select_n3A_394 : vector<16xi1>, vector<16xf32>
      %eq3A_460 = arith.cmpf oeq, %select_n3A_401, %max3A_415 : vector<16xf32>
      %not3A_461 = arith.constant dense<true> : vector<16xi1>
      %not3A_462 = arith.xori %or3A_457, %not3A_461 : vector<16xi1>
      %and3A_463 = arith.andi %eq3A_460, %not3A_462 : vector<16xi1>
      %or3A_464 = arith.ori %or3A_457, %and3A_463 : vector<16xi1>
      %or3A_465 = arith.ori %or3A_400, %and3A_463 : vector<16xi1>
      %select_n3A_466 = arith.select %and3A_463, %broadcast_in_dim3A_215, %select_n3A_401 : vector<16xi1>, vector<16xf32>
      %eq3A_467 = arith.cmpf oeq, %select_n3A_408, %max3A_415 : vector<16xf32>
      %not3A_468 = arith.constant dense<true> : vector<16xi1>
      %not3A_469 = arith.xori %or3A_464, %not3A_468 : vector<16xi1>
      %and3A_470 = arith.andi %eq3A_467, %not3A_469 : vector<16xi1>
      %or3A_471 = arith.ori %or3A_464, %and3A_470 : vector<16xi1>
      %or3A_472 = arith.ori %or3A_407, %and3A_470 : vector<16xi1>
      %select_n3A_473 = arith.select %and3A_470, %broadcast_in_dim3A_215, %select_n3A_408 : vector<16xi1>, vector<16xf32>
      %jit3A_474 = arith.constant 0.000000e+00 : f32
      %broadcast_in_dim3A_475 = vector.broadcast %jit3A_474 : f32 to vector<16xf32>
      %select_n3A_476 = arith.select %or3A_423, %div3A_190, %broadcast_in_dim3A_475 : vector<16xi1>, vector<16xf32>
      %jit3A_477 = arith.constant 0.000000e+00 : f32
      %broadcast_in_dim3A_478 = vector.broadcast %jit3A_477 : f32 to vector<16xf32>
      %select_n3A_479 = arith.select %or3A_430, %div3A_191, %broadcast_in_dim3A_478 : vector<16xi1>, vector<16xf32>
      %jit3A_480 = arith.constant 0.000000e+00 : f32
      %broadcast_in_dim3A_481 = vector.broadcast %jit3A_480 : f32 to vector<16xf32>
      %select_n3A_482 = arith.select %or3A_437, %div3A_192, %broadcast_in_dim3A_481 : vector<16xi1>, vector<16xf32>
      %jit3A_483 = arith.constant 0.000000e+00 : f32
      %broadcast_in_dim3A_484 = vector.broadcast %jit3A_483 : f32 to vector<16xf32>
      %select_n3A_485 = arith.select %or3A_444, %div3A_193, %broadcast_in_dim3A_484 : vector<16xi1>, vector<16xf32>
      %jit3A_486 = arith.constant 0.000000e+00 : f32
      %broadcast_in_dim3A_487 = vector.broadcast %jit3A_486 : f32 to vector<16xf32>
      %select_n3A_488 = arith.select %or3A_451, %div3A_194, %broadcast_in_dim3A_487 : vector<16xi1>, vector<16xf32>
      %jit3A_489 = arith.constant 0.000000e+00 : f32
      %broadcast_in_dim3A_490 = vector.broadcast %jit3A_489 : f32 to vector<16xf32>
      %select_n3A_491 = arith.select %or3A_458, %div3A_195, %broadcast_in_dim3A_490 : vector<16xi1>, vector<16xf32>
      %jit3A_492 = arith.constant 0.000000e+00 : f32
      %broadcast_in_dim3A_493 = vector.broadcast %jit3A_492 : f32 to vector<16xf32>
      %select_n3A_494 = arith.select %or3A_465, %div3A_196, %broadcast_in_dim3A_493 : vector<16xi1>, vector<16xf32>
      %jit3A_495 = arith.constant 0.000000e+00 : f32
      %broadcast_in_dim3A_496 = vector.broadcast %jit3A_495 : f32 to vector<16xf32>
      %select_n3A_497 = arith.select %or3A_472, %div3A_197, %broadcast_in_dim3A_496 : vector<16xi1>, vector<16xf32>
      %add3A_498 = arith.addf %select_n3A_476, %select_n3A_479 : vector<16xf32>
      %add3A_499 = arith.addf %add3A_498, %select_n3A_482 : vector<16xf32>
      %add3A_500 = arith.addf %add3A_499, %select_n3A_485 : vector<16xf32>
      %add3A_501 = arith.addf %add3A_500, %select_n3A_488 : vector<16xf32>
      %add3A_502 = arith.addf %add3A_501, %select_n3A_491 : vector<16xf32>
      %add3A_503 = arith.addf %add3A_502, %select_n3A_494 : vector<16xf32>
      %add3A_504 = arith.addf %add3A_503, %select_n3A_497 : vector<16xf32>
      %add3A_505 = arith.constant 9.99999997E-7 : f32
      %add3A_506 = vector.broadcast %add3A_505 : f32 to vector<16xf32>
      %add3A_507 = arith.addf %add3A_504, %add3A_506 : vector<16xf32>
      %broadcast_in_dim3A_508 = arith.constant 1.000000e+00 : f32
      %broadcast_in_dim3A_509 = vector.broadcast %broadcast_in_dim3A_508 : f32 to vector<16xf32>
      %div3A_510 = arith.divf %select_n3A_476, %add3A_507 : vector<16xf32>
      %broadcast_in_dim3A_511 = arith.constant 0 : i32
      %broadcast_in_dim3A_512 = vector.broadcast %broadcast_in_dim3A_511 : i32 to vector<16xi32>
      tpu.vector_store_idx %arg8[%add3A_155, %broadcast_in_dim3A_512], %div3A_510 : memref<128x8xf32, #tpu.memory_space<vmem>>[vector<16xi32>, vector<16xi32>], vector<16xf32>,
      %swap3A_513 = arith.constant 0 : i32
      %swap3A_514 = arith.constant 0 : i32
      %swap3A_515 = arith.index_cast %swap3A_513 : i32 to index
      %swap3A_516 = arith.index_cast %swap3A_514 : i32 to index
      %swap3A_517 = arith.constant 0 : index
      %swap3A_518 = tpu.vector_load %arg9[%swap3A_515, %swap3A_516, %swap3A_517] {strides = array<i32>} : memref<2x8x16xf32, #tpu.memory_space<vmem>>, vector<16xf32>,
      tpu.vector_store %arg9[%swap3A_515, %swap3A_516, %swap3A_517], %div3A_510 {add = true, strides = array<i32>} : memref<2x8x16xf32, #tpu.memory_space<vmem>>, vector<16xf32>,
      %gt3A = arith.constant 0.000000e+00 : f32
      %gt3A_519 = vector.broadcast %gt3A : f32 to vector<16xf32>
      %gt3A_520 = arith.cmpf ogt, %div3A_510, %gt3A_519 : vector<16xf32>
      %jit3A_521 = arith.constant 0.000000e+00 : f32
      %broadcast_in_dim3A_522 = vector.broadcast %jit3A_521 : f32 to vector<16xf32>
      %select_n3A_523 = arith.select %gt3A_520, %broadcast_in_dim3A_509, %broadcast_in_dim3A_522 : vector<16xi1>, vector<16xf32>
      %swap3A_524 = arith.constant 1 : i32
      %swap3A_525 = arith.constant 0 : i32
      %swap3A_526 = arith.index_cast %swap3A_524 : i32 to index
      %swap3A_527 = arith.index_cast %swap3A_525 : i32 to index
      %swap3A_528 = arith.constant 0 : index
      %swap3A_529 = tpu.vector_load %arg9[%swap3A_526, %swap3A_527, %swap3A_528] {strides = array<i32>} : memref<2x8x16xf32, #tpu.memory_space<vmem>>, vector<16xf32>,
      tpu.vector_store %arg9[%swap3A_526, %swap3A_527, %swap3A_528], %select_n3A_523 {add = true, strides = array<i32>} : memref<2x8x16xf32, #tpu.memory_space<vmem>>, vector<16xf32>,
      %div3A_530 = arith.divf %select_n3A_479, %add3A_507 : vector<16xf32>
      %broadcast_in_dim3A_531 = arith.constant 1 : i32
      %broadcast_in_dim3A_532 = vector.broadcast %broadcast_in_dim3A_531 : i32 to vector<16xi32>
      tpu.vector_store_idx %arg8[%add3A_155, %broadcast_in_dim3A_532], %div3A_530 : memref<128x8xf32, #tpu.memory_space<vmem>>[vector<16xi32>, vector<16xi32>], vector<16xf32>,
      %swap3A_533 = arith.constant 0 : i32
      %swap3A_534 = arith.constant 1 : i32
      %swap3A_535 = arith.index_cast %swap3A_533 : i32 to index
      %swap3A_536 = arith.index_cast %swap3A_534 : i32 to index
      %swap3A_537 = arith.constant 0 : index
      %swap3A_538 = tpu.vector_load %arg9[%swap3A_535, %swap3A_536, %swap3A_537] {strides = array<i32>} : memref<2x8x16xf32, #tpu.memory_space<vmem>>, vector<16xf32>,
      tpu.vector_store %arg9[%swap3A_535, %swap3A_536, %swap3A_537], %div3A_530 {add = true, strides = array<i32>} : memref<2x8x16xf32, #tpu.memory_space<vmem>>, vector<16xf32>,
      %gt3A_539 = arith.constant 0.000000e+00 : f32
      %gt3A_540 = vector.broadcast %gt3A_539 : f32 to vector<16xf32>
      %gt3A_541 = arith.cmpf ogt, %div3A_530, %gt3A_540 : vector<16xf32>
      %jit3A_542 = arith.constant 0.000000e+00 : f32
      %broadcast_in_dim3A_543 = vector.broadcast %jit3A_542 : f32 to vector<16xf32>
      %select_n3A_544 = arith.select %gt3A_541, %broadcast_in_dim3A_509, %broadcast_in_dim3A_543 : vector<16xi1>, vector<16xf32>
      %swap3A_545 = arith.constant 1 : i32
      %swap3A_546 = arith.constant 1 : i32
      %swap3A_547 = arith.index_cast %swap3A_545 : i32 to index
      %swap3A_548 = arith.index_cast %swap3A_546 : i32 to index
      %swap3A_549 = arith.constant 0 : index
      %swap3A_550 = tpu.vector_load %arg9[%swap3A_547, %swap3A_548, %swap3A_549] {strides = array<i32>} : memref<2x8x16xf32, #tpu.memory_space<vmem>>, vector<16xf32>,
      tpu.vector_store %arg9[%swap3A_547, %swap3A_548, %swap3A_549], %select_n3A_544 {add = true, strides = array<i32>} : memref<2x8x16xf32, #tpu.memory_space<vmem>>, vector<16xf32>,
      %div3A_551 = arith.divf %select_n3A_482, %add3A_507 : vector<16xf32>
      %broadcast_in_dim3A_552 = arith.constant 2 : i32
      %broadcast_in_dim3A_553 = vector.broadcast %broadcast_in_dim3A_552 : i32 to vector<16xi32>
      tpu.vector_store_idx %arg8[%add3A_155, %broadcast_in_dim3A_553], %div3A_551 : memref<128x8xf32, #tpu.memory_space<vmem>>[vector<16xi32>, vector<16xi32>], vector<16xf32>,
      %swap3A_554 = arith.constant 0 : i32
      %swap3A_555 = arith.constant 2 : i32
      %swap3A_556 = arith.index_cast %swap3A_554 : i32 to index
      %swap3A_557 = arith.index_cast %swap3A_555 : i32 to index
      %swap3A_558 = arith.constant 0 : index
      %swap3A_559 = tpu.vector_load %arg9[%swap3A_556, %swap3A_557, %swap3A_558] {strides = array<i32>} : memref<2x8x16xf32, #tpu.memory_space<vmem>>, vector<16xf32>,
      tpu.vector_store %arg9[%swap3A_556, %swap3A_557, %swap3A_558], %div3A_551 {add = true, strides = array<i32>} : memref<2x8x16xf32, #tpu.memory_space<vmem>>, vector<16xf32>,
      %gt3A_560 = arith.constant 0.000000e+00 : f32
      %gt3A_561 = vector.broadcast %gt3A_560 : f32 to vector<16xf32>
      %gt3A_562 = arith.cmpf ogt, %div3A_551, %gt3A_561 : vector<16xf32>
      %jit3A_563 = arith.constant 0.000000e+00 : f32
      %broadcast_in_dim3A_564 = vector.broadcast %jit3A_563 : f32 to vector<16xf32>
      %select_n3A_565 = arith.select %gt3A_562, %broadcast_in_dim3A_509, %broadcast_in_dim3A_564 : vector<16xi1>, vector<16xf32>
      %swap3A_566 = arith.constant 1 : i32
      %swap3A_567 = arith.constant 2 : i32
      %swap3A_568 = arith.index_cast %swap3A_566 : i32 to index
      %swap3A_569 = arith.index_cast %swap3A_567 : i32 to index
      %swap3A_570 = arith.constant 0 : index
      %swap3A_571 = tpu.vector_load %arg9[%swap3A_568, %swap3A_569, %swap3A_570] {strides = array<i32>} : memref<2x8x16xf32, #tpu.memory_space<vmem>>, vector<16xf32>,
      tpu.vector_store %arg9[%swap3A_568, %swap3A_569, %swap3A_570], %select_n3A_565 {add = true, strides = array<i32>} : memref<2x8x16xf32, #tpu.memory_space<vmem>>, vector<16xf32>,
      %div3A_572 = arith.divf %select_n3A_485, %add3A_507 : vector<16xf32>
      %broadcast_in_dim3A_573 = arith.constant 3 : i32
      %broadcast_in_dim3A_574 = vector.broadcast %broadcast_in_dim3A_573 : i32 to vector<16xi32>
      tpu.vector_store_idx %arg8[%add3A_155, %broadcast_in_dim3A_574], %div3A_572 : memref<128x8xf32, #tpu.memory_space<vmem>>[vector<16xi32>, vector<16xi32>], vector<16xf32>,
      %swap3A_575 = arith.constant 0 : i32
      %swap3A_576 = arith.constant 3 : i32
      %swap3A_577 = arith.index_cast %swap3A_575 : i32 to index
      %swap3A_578 = arith.index_cast %swap3A_576 : i32 to index
      %swap3A_579 = arith.constant 0 : index
      %swap3A_580 = tpu.vector_load %arg9[%swap3A_577, %swap3A_578, %swap3A_579] {strides = array<i32>} : memref<2x8x16xf32, #tpu.memory_space<vmem>>, vector<16xf32>,
      tpu.vector_store %arg9[%swap3A_577, %swap3A_578, %swap3A_579], %div3A_572 {add = true, strides = array<i32>} : memref<2x8x16xf32, #tpu.memory_space<vmem>>, vector<16xf32>,
      %gt3A_581 = arith.constant 0.000000e+00 : f32
      %gt3A_582 = vector.broadcast %gt3A_581 : f32 to vector<16xf32>
      %gt3A_583 = arith.cmpf ogt, %div3A_572, %gt3A_582 : vector<16xf32>
      %jit3A_584 = arith.constant 0.000000e+00 : f32
      %broadcast_in_dim3A_585 = vector.broadcast %jit3A_584 : f32 to vector<16xf32>
      %select_n3A_586 = arith.select %gt3A_583, %broadcast_in_dim3A_509, %broadcast_in_dim3A_585 : vector<16xi1>, vector<16xf32>
      %swap3A_587 = arith.constant 1 : i32
      %swap3A_588 = arith.constant 3 : i32
      %swap3A_589 = arith.index_cast %swap3A_587 : i32 to index
      %swap3A_590 = arith.index_cast %swap3A_588 : i32 to index
      %swap3A_591 = arith.constant 0 : index
      %swap3A_592 = tpu.vector_load %arg9[%swap3A_589, %swap3A_590, %swap3A_591] {strides = array<i32>} : memref<2x8x16xf32, #tpu.memory_space<vmem>>, vector<16xf32>,
      tpu.vector_store %arg9[%swap3A_589, %swap3A_590, %swap3A_591], %select_n3A_586 {add = true, strides = array<i32>} : memref<2x8x16xf32, #tpu.memory_space<vmem>>, vector<16xf32>,
      %div3A_593 = arith.divf %select_n3A_488, %add3A_507 : vector<16xf32>
      %broadcast_in_dim3A_594 = arith.constant 4 : i32
      %broadcast_in_dim3A_595 = vector.broadcast %broadcast_in_dim3A_594 : i32 to vector<16xi32>
      tpu.vector_store_idx %arg8[%add3A_155, %broadcast_in_dim3A_595], %div3A_593 : memref<128x8xf32, #tpu.memory_space<vmem>>[vector<16xi32>, vector<16xi32>], vector<16xf32>,
      %swap3A_596 = arith.constant 0 : i32
      %swap3A_597 = arith.constant 4 : i32
      %swap3A_598 = arith.index_cast %swap3A_596 : i32 to index
      %swap3A_599 = arith.index_cast %swap3A_597 : i32 to index
      %swap3A_600 = arith.constant 0 : index
      %swap3A_601 = tpu.vector_load %arg9[%swap3A_598, %swap3A_599, %swap3A_600] {strides = array<i32>} : memref<2x8x16xf32, #tpu.memory_space<vmem>>, vector<16xf32>,
      tpu.vector_store %arg9[%swap3A_598, %swap3A_599, %swap3A_600], %div3A_593 {add = true, strides = array<i32>} : memref<2x8x16xf32, #tpu.memory_space<vmem>>, vector<16xf32>,
      %gt3A_602 = arith.constant 0.000000e+00 : f32
      %gt3A_603 = vector.broadcast %gt3A_602 : f32 to vector<16xf32>
      %gt3A_604 = arith.cmpf ogt, %div3A_593, %gt3A_603 : vector<16xf32>
      %jit3A_605 = arith.constant 0.000000e+00 : f32
      %broadcast_in_dim3A_606 = vector.broadcast %jit3A_605 : f32 to vector<16xf32>
      %select_n3A_607 = arith.select %gt3A_604, %broadcast_in_dim3A_509, %broadcast_in_dim3A_606 : vector<16xi1>, vector<16xf32>
      %swap3A_608 = arith.constant 1 : i32
      %swap3A_609 = arith.constant 4 : i32
      %swap3A_610 = arith.index_cast %swap3A_608 : i32 to index
      %swap3A_611 = arith.index_cast %swap3A_609 : i32 to index
      %swap3A_612 = arith.constant 0 : index
      %swap3A_613 = tpu.vector_load %arg9[%swap3A_610, %swap3A_611, %swap3A_612] {strides = array<i32>} : memref<2x8x16xf32, #tpu.memory_space<vmem>>, vector<16xf32>,
      tpu.vector_store %arg9[%swap3A_610, %swap3A_611, %swap3A_612], %select_n3A_607 {add = true, strides = array<i32>} : memref<2x8x16xf32, #tpu.memory_space<vmem>>, vector<16xf32>,
      %div3A_614 = arith.divf %select_n3A_491, %add3A_507 : vector<16xf32>
      %broadcast_in_dim3A_615 = arith.constant 5 : i32
      %broadcast_in_dim3A_616 = vector.broadcast %broadcast_in_dim3A_615 : i32 to vector<16xi32>
      tpu.vector_store_idx %arg8[%add3A_155, %broadcast_in_dim3A_616], %div3A_614 : memref<128x8xf32, #tpu.memory_space<vmem>>[vector<16xi32>, vector<16xi32>], vector<16xf32>,
      %swap3A_617 = arith.constant 0 : i32
      %swap3A_618 = arith.constant 5 : i32
      %swap3A_619 = arith.index_cast %swap3A_617 : i32 to index
      %swap3A_620 = arith.index_cast %swap3A_618 : i32 to index
      %swap3A_621 = arith.constant 0 : index
      %swap3A_622 = tpu.vector_load %arg9[%swap3A_619, %swap3A_620, %swap3A_621] {strides = array<i32>} : memref<2x8x16xf32, #tpu.memory_space<vmem>>, vector<16xf32>,
      tpu.vector_store %arg9[%swap3A_619, %swap3A_620, %swap3A_621], %div3A_614 {add = true, strides = array<i32>} : memref<2x8x16xf32, #tpu.memory_space<vmem>>, vector<16xf32>,
      %gt3A_623 = arith.constant 0.000000e+00 : f32
      %gt3A_624 = vector.broadcast %gt3A_623 : f32 to vector<16xf32>
      %gt3A_625 = arith.cmpf ogt, %div3A_614, %gt3A_624 : vector<16xf32>
      %jit3A_626 = arith.constant 0.000000e+00 : f32
      %broadcast_in_dim3A_627 = vector.broadcast %jit3A_626 : f32 to vector<16xf32>
      %select_n3A_628 = arith.select %gt3A_625, %broadcast_in_dim3A_509, %broadcast_in_dim3A_627 : vector<16xi1>, vector<16xf32>
      %swap3A_629 = arith.constant 1 : i32
      %swap3A_630 = arith.constant 5 : i32
      %swap3A_631 = arith.index_cast %swap3A_629 : i32 to index
      %swap3A_632 = arith.index_cast %swap3A_630 : i32 to index
      %swap3A_633 = arith.constant 0 : index
      %swap3A_634 = tpu.vector_load %arg9[%swap3A_631, %swap3A_632, %swap3A_633] {strides = array<i32>} : memref<2x8x16xf32, #tpu.memory_space<vmem>>, vector<16xf32>,
      tpu.vector_store %arg9[%swap3A_631, %swap3A_632, %swap3A_633], %select_n3A_628 {add = true, strides = array<i32>} : memref<2x8x16xf32, #tpu.memory_space<vmem>>, vector<16xf32>,
      %div3A_635 = arith.divf %select_n3A_494, %add3A_507 : vector<16xf32>
      %broadcast_in_dim3A_636 = arith.constant 6 : i32
      %broadcast_in_dim3A_637 = vector.broadcast %broadcast_in_dim3A_636 : i32 to vector<16xi32>
      tpu.vector_store_idx %arg8[%add3A_155, %broadcast_in_dim3A_637], %div3A_635 : memref<128x8xf32, #tpu.memory_space<vmem>>[vector<16xi32>, vector<16xi32>], vector<16xf32>,
      %swap3A_638 = arith.constant 0 : i32
      %swap3A_639 = arith.constant 6 : i32
      %swap3A_640 = arith.index_cast %swap3A_638 : i32 to index
      %swap3A_641 = arith.index_cast %swap3A_639 : i32 to index
      %swap3A_642 = arith.constant 0 : index
      %swap3A_643 = tpu.vector_load %arg9[%swap3A_640, %swap3A_641, %swap3A_642] {strides = array<i32>} : memref<2x8x16xf32, #tpu.memory_space<vmem>>, vector<16xf32>,
      tpu.vector_store %arg9[%swap3A_640, %swap3A_641, %swap3A_642], %div3A_635 {add = true, strides = array<i32>} : memref<2x8x16xf32, #tpu.memory_space<vmem>>, vector<16xf32>,
      %gt3A_644 = arith.constant 0.000000e+00 : f32
      %gt3A_645 = vector.broadcast %gt3A_644 : f32 to vector<16xf32>
      %gt3A_646 = arith.cmpf ogt, %div3A_635, %gt3A_645 : vector<16xf32>
      %jit3A_647 = arith.constant 0.000000e+00 : f32
      %broadcast_in_dim3A_648 = vector.broadcast %jit3A_647 : f32 to vector<16xf32>
      %select_n3A_649 = arith.select %gt3A_646, %broadcast_in_dim3A_509, %broadcast_in_dim3A_648 : vector<16xi1>, vector<16xf32>
      %swap3A_650 = arith.constant 1 : i32
      %swap3A_651 = arith.constant 6 : i32
      %swap3A_652 = arith.index_cast %swap3A_650 : i32 to index
      %swap3A_653 = arith.index_cast %swap3A_651 : i32 to index
      %swap3A_654 = arith.constant 0 : index
      %swap3A_655 = tpu.vector_load %arg9[%swap3A_652, %swap3A_653, %swap3A_654] {strides = array<i32>} : memref<2x8x16xf32, #tpu.memory_space<vmem>>, vector<16xf32>,
      tpu.vector_store %arg9[%swap3A_652, %swap3A_653, %swap3A_654], %select_n3A_649 {add = true, strides = array<i32>} : memref<2x8x16xf32, #tpu.memory_space<vmem>>, vector<16xf32>,
      %div3A_656 = arith.divf %select_n3A_497, %add3A_507 : vector<16xf32>
      %broadcast_in_dim3A_657 = arith.constant 7 : i32
      %broadcast_in_dim3A_658 = vector.broadcast %broadcast_in_dim3A_657 : i32 to vector<16xi32>
      tpu.vector_store_idx %arg8[%add3A_155, %broadcast_in_dim3A_658], %div3A_656 : memref<128x8xf32, #tpu.memory_space<vmem>>[vector<16xi32>, vector<16xi32>], vector<16xf32>,
      %swap3A_659 = arith.constant 0 : i32
      %swap3A_660 = arith.constant 7 : i32
      %swap3A_661 = arith.index_cast %swap3A_659 : i32 to index
      %swap3A_662 = arith.index_cast %swap3A_660 : i32 to index
      %swap3A_663 = arith.constant 0 : index
      %swap3A_664 = tpu.vector_load %arg9[%swap3A_661, %swap3A_662, %swap3A_663] {strides = array<i32>} : memref<2x8x16xf32, #tpu.memory_space<vmem>>, vector<16xf32>,
      tpu.vector_store %arg9[%swap3A_661, %swap3A_662, %swap3A_663], %div3A_656 {add = true, strides = array<i32>} : memref<2x8x16xf32, #tpu.memory_space<vmem>>, vector<16xf32>,
      %gt3A_665 = arith.constant 0.000000e+00 : f32
      %gt3A_666 = vector.broadcast %gt3A_665 : f32 to vector<16xf32>
      %gt3A_667 = arith.cmpf ogt, %div3A_656, %gt3A_666 : vector<16xf32>
      %jit3A_668 = arith.constant 0.000000e+00 : f32
      %broadcast_in_dim3A_669 = vector.broadcast %jit3A_668 : f32 to vector<16xf32>
      %select_n3A_670 = arith.select %gt3A_667, %broadcast_in_dim3A_509, %broadcast_in_dim3A_669 : vector<16xi1>, vector<16xf32>
      %swap3A_671 = arith.constant 1 : i32
      %swap3A_672 = arith.constant 7 : i32
      %swap3A_673 = arith.index_cast %swap3A_671 : i32 to index
      %swap3A_674 = arith.index_cast %swap3A_672 : i32 to index
      %swap3A_675 = arith.constant 0 : index
      %swap3A_676 = tpu.vector_load %arg9[%swap3A_673, %swap3A_674, %swap3A_675] {strides = array<i32>} : memref<2x8x16xf32, #tpu.memory_space<vmem>>, vector<16xf32>,
      tpu.vector_store %arg9[%swap3A_673, %swap3A_674, %swap3A_675], %select_n3A_670 {add = true, strides = array<i32>} : memref<2x8x16xf32, #tpu.memory_space<vmem>>, vector<16xf32>,
    }
    %scan3A_150 = arith.constant 8 : i32
    "tpu.region"() ({
      %run_scoped3A = tpu.sem_alloc : memref<!tpu.dma_semaphore, #tpu.memory_space<semaphore_mem>>
      %dma_start3A_151 = arith.constant 0 : i32
      %dma_start3A_152 = tpu.memref_slice %arg4[%select_n3A, %mul3A_32, %dma_start3A_151] : memref<4x1024x8xf32, #tpu.memory_space<hbm>> -> memref<1x128x8xf32, #tpu.memory_space<hbm>>
      %dma_start3A_153 = tpu.memref_squeeze %dma_start3A_152 : memref<1x128x8xf32, #tpu.memory_space<hbm>> -> memref<128x8xf32, #tpu.memory_space<hbm>>
      %dma_start3A_154 = arith.constant 0 : i32
      %dma_start3A_155 = tpu.memref_slice %arg4[%select_n3A, %mul3A_32, %dma_start3A_154] : memref<4x1024x8xf32, #tpu.memory_space<hbm>> -> memref<1x128x8xf32, #tpu.memory_space<hbm>>
      %dma_start3A_156 = tpu.memref_squeeze %dma_start3A_155 : memref<1x128x8xf32, #tpu.memory_space<hbm>> -> memref<128x8xf32, #tpu.memory_space<hbm>>
      tpu.enqueue_dma source(%arg8 : memref<128x8xf32, #tpu.memory_space<vmem>>) target(%dma_start3A_156 : memref<128x8xf32, #tpu.memory_space<hbm>>) target_semaphore(%run_scoped3A : memref<!tpu.dma_semaphore, #tpu.memory_space<semaphore_mem>>)
      %dma_wait3A_157 = arith.constant 0 : i32
      %dma_wait3A_158 = tpu.memref_slice %arg4[%select_n3A, %mul3A_32, %dma_wait3A_157] : memref<4x1024x8xf32, #tpu.memory_space<hbm>> -> memref<1x128x8xf32, #tpu.memory_space<hbm>>
      %dma_wait3A_159 = tpu.memref_squeeze %dma_wait3A_158 : memref<1x128x8xf32, #tpu.memory_space<hbm>> -> memref<128x8xf32, #tpu.memory_space<hbm>>
      %dma_wait3A_160 = arith.constant 0 : i32
      %dma_wait3A_161 = tpu.memref_slice %arg4[%select_n3A, %mul3A_32, %dma_wait3A_160] : memref<4x1024x8xf32, #tpu.memory_space<hbm>> -> memref<1x128x8xf32, #tpu.memory_space<hbm>>
      %dma_wait3A_162 = tpu.memref_squeeze %dma_wait3A_161 : memref<1x128x8xf32, #tpu.memory_space<hbm>> -> memref<128x8xf32, #tpu.memory_space<hbm>>
      tpu.wait_dma2 semaphore(%run_scoped3A : memref<!tpu.dma_semaphore, #tpu.memory_space<semaphore_mem>>) src(%arg8 : memref<128x8xf32, #tpu.memory_space<vmem>>) dst(%dma_wait3A_162 : memref<128x8xf32, #tpu.memory_space<hbm>>)
      tpu.yield
    }) : () -> ()
    "tpu.region"() ({
      %run_scoped3A = tpu.sem_alloc : memref<!tpu.dma_semaphore, #tpu.memory_space<semaphore_mem>>
      %dma_start3A_151 = arith.constant 0 : i32
      %dma_start3A_152 = arith.constant 0 : i32
      %dma_start3A_153 = arith.constant 0 : i32
      %dma_start3A_154 = tpu.memref_slice %arg5[%dma_start3A_151, %select_n3A, %dma_start3A_152, %select_n3A_30, %dma_start3A_153] : memref<2x4x8x8x16xf32, #tpu.memory_space<hbm>> -> memref<2x1x8x1x16xf32, #tpu.memory_space<hbm>>
      %dma_start3A_155 = tpu.memref_squeeze %dma_start3A_154 : memref<2x1x8x1x16xf32, #tpu.memory_space<hbm>> -> memref<2x8x16xf32, #tpu.memory_space<hbm>>
      %dma_start3A_156 = arith.constant 0 : i32
      %dma_start3A_157 = arith.constant 0 : i32
      %dma_start3A_158 = arith.constant 0 : i32
      %dma_start3A_159 = tpu.memref_slice %arg5[%dma_start3A_156, %select_n3A, %dma_start3A_157, %select_n3A_30, %dma_start3A_158] : memref<2x4x8x8x16xf32, #tpu.memory_space<hbm>> -> memref<2x1x8x1x16xf32, #tpu.memory_space<hbm>>
      %dma_start3A_160 = tpu.memref_squeeze %dma_start3A_159 : memref<2x1x8x1x16xf32, #tpu.memory_space<hbm>> -> memref<2x8x16xf32, #tpu.memory_space<hbm>>
      tpu.enqueue_dma source(%arg9 : memref<2x8x16xf32, #tpu.memory_space<vmem>>) target(%dma_start3A_160 : memref<2x8x16xf32, #tpu.memory_space<hbm>>) target_semaphore(%run_scoped3A : memref<!tpu.dma_semaphore, #tpu.memory_space<semaphore_mem>>)
      %dma_wait3A_161 = arith.constant 0 : i32
      %dma_wait3A_162 = arith.constant 0 : i32
      %dma_wait3A_163 = arith.constant 0 : i32
      %dma_wait3A_164 = tpu.memref_slice %arg5[%dma_wait3A_161, %select_n3A, %dma_wait3A_162, %select_n3A_30, %dma_wait3A_163] : memref<2x4x8x8x16xf32, #tpu.memory_space<hbm>> -> memref<2x1x8x1x16xf32, #tpu.memory_space<hbm>>
      %dma_wait3A_165 = tpu.memref_squeeze %dma_wait3A_164 : memref<2x1x8x1x16xf32, #tpu.memory_space<hbm>> -> memref<2x8x16xf32, #tpu.memory_space<hbm>>
      %dma_wait3A_166 = arith.constant 0 : i32
      %dma_wait3A_167 = arith.constant 0 : i32
      %dma_wait3A_168 = arith.constant 0 : i32
      %dma_wait3A_169 = tpu.memref_slice %arg5[%dma_wait3A_166, %select_n3A, %dma_wait3A_167, %select_n3A_30, %dma_wait3A_168] : memref<2x4x8x8x16xf32, #tpu.memory_space<hbm>> -> memref<2x1x8x1x16xf32, #tpu.memory_space<hbm>>
      %dma_wait3A_170 = tpu.memref_squeeze %dma_wait3A_169 : memref<2x1x8x1x16xf32, #tpu.memory_space<hbm>> -> memref<2x8x16xf32, #tpu.memory_space<hbm>>
      tpu.wait_dma2 semaphore(%run_scoped3A : memref<!tpu.dma_semaphore, #tpu.memory_space<semaphore_mem>>) src(%arg9 : memref<2x8x16xf32, #tpu.memory_space<vmem>>) dst(%dma_wait3A_170 : memref<2x8x16xf32, #tpu.memory_space<hbm>>)
      tpu.yield
    }) : () -> ()
    return
  }
}

module attributes {stable_mosaic.version = 14 : i64} {
  func.func @_moe_body(%arg0: i32, %arg1: i32, %arg2: memref<64x1x32x128xf32, #tpu.memory_space<vmem>>, %arg3: memref<1x3x32x64xbf16, #tpu.memory_space<vmem>>, %arg4: memref<1x1x64xf32, #tpu.memory_space<vmem>>, %arg5: memref<1x8x4096xbf16, #tpu.memory_space<vmem>>, %arg6: memref<1x8x64xf32, #tpu.memory_space<vmem>>, %arg7: memref<1x64x8xf32, #tpu.memory_space<vmem>>, %arg8: memref<2x4x8x128xf32, #tpu.memory_space<vmem>>, %arg9: memref<64x1x64x126xf32, #tpu.memory_space<vmem>>, %arg10: memref<1x1xf32, #tpu.memory_space<vmem>>) attributes {dimension_semantics = [#tpu.dimension_semantics<arbitrary>, #tpu.dimension_semantics<arbitrary>], iteration_bounds = array<i64: 4, 16>, scalar_prefetch = 0 : i64, scratch_operands = 0 : i64, tpu.core_type = #tpu.core_type<tc>, window_params = [{transform_indices = @transform_0, window_bounds = array<i64: 64, 1, 32, 128>}, {transform_indices = @transform_1, window_bounds = array<i64: 1, 3, 32, 64>}, {transform_indices = @transform_2, window_bounds = array<i64: 1, 1, 64>}, {transform_indices = @transform_3, window_bounds = array<i64: 1, 8, 4096>}, {transform_indices = @transform_4, window_bounds = array<i64: 1, 8, 64>}, {transform_indices = @transform_5, window_bounds = array<i64: 1, 64, 8>}, {pipeline_mode = #tpu.pipeline_mode<synchronous>, transform_indices = @transform_6, window_bounds = array<i64: 2, 4, 8, 128>}, {transform_indices = @transform_7, window_bounds = array<i64: 64, 1, 64, 126>}, {pipeline_mode = #tpu.pipeline_mode<synchronous>, transform_indices = @transform_8, window_bounds = array<i64: 1, 1>}]} {
    %get3A = arith.constant 0 : index
    %get3A_0 = arith.constant 0 : index
    %get3A_1 = arith.constant 0 : index
    %get3A_2 = arith.constant 0 : index
    %get3A_3 = vector.load %arg2[%get3A, %get3A_0, %get3A_1, %get3A_2] : memref<64x1x32x128xf32, #tpu.memory_space<vmem>>, vector<64x1x32x128xf32>
    %get3A_4 = vector.shape_cast %get3A_3 : vector<64x1x32x128xf32> to vector<64x32x128xf32>
    %get3A_5 = arith.constant 0 : index
    %get3A_6 = arith.constant 0 : index
    %get3A_7 = arith.constant 0 : index
    %get3A_8 = vector.load %arg7[%get3A_5, %get3A_6, %get3A_7] : memref<1x64x8xf32, #tpu.memory_space<vmem>>, vector<1x64x8xf32>
    %get3A_9 = vector.shape_cast %get3A_8 : vector<1x64x8xf32> to vector<64x8xf32>
    %get3A_10 = arith.constant 0 : index
    %get3A_11 = arith.constant 0 : index
    %get3A_12 = arith.constant 0 : index
    %get3A_13 = arith.constant 0 : index
    %get3A_14 = vector.load %arg3[%get3A_10, %get3A_11, %get3A_12, %get3A_13] : memref<1x3x32x64xbf16, #tpu.memory_space<vmem>>, vector<1x3x32x64xbf16>
    %get3A_15 = vector.shape_cast %get3A_14 : vector<1x3x32x64xbf16> to vector<3x32x64xbf16>
    %convert_element_type3A = arith.truncf %get3A_4 : vector<64x32x128xf32> to vector<64x32x128xbf16>
    %slice3A = vector.extract_strided_slice %get3A_15 {offsets = [0, 0, 0], sizes = [1, 32, 64], strides = [1, 1, 1]} : vector<3x32x64xbf16> to vector<1x32x64xbf16>
    %squeeze3A = vector.shape_cast %slice3A : vector<1x32x64xbf16> to vector<32x64xbf16>
    %dot_general3A = arith.constant dense<0.000000e+00> : vector<64x128x64xf32>
    %dot_general3A_16 = tpu.matmul %convert_element_type3A, %squeeze3A, %dot_general3A {dimension_numbers = #tpu.dot_dimension_numbers<[1], [0], [0, 2], [1], [0, 0, 0, 2, 1, 1], [], []>, transpose_lhs_hint = false} : vector<64x32x128xbf16>, vector<32x64xbf16>, vector<64x128x64xf32> -> vector<64x128x64xf32>
    %slice3A_17 = vector.extract_strided_slice %get3A_15 {offsets = [1, 0, 0], sizes = [1, 32, 64], strides = [1, 1, 1]} : vector<3x32x64xbf16> to vector<1x32x64xbf16>
    %squeeze3A_18 = vector.shape_cast %slice3A_17 : vector<1x32x64xbf16> to vector<32x64xbf16>
    %dot_general3A_19 = arith.constant dense<0.000000e+00> : vector<64x128x64xf32>
    %dot_general3A_20 = tpu.matmul %convert_element_type3A, %squeeze3A_18, %dot_general3A_19 {dimension_numbers = #tpu.dot_dimension_numbers<[1], [0], [0, 2], [1], [0, 0, 0, 2, 1, 1], [], []>, transpose_lhs_hint = false} : vector<64x32x128xbf16>, vector<32x64xbf16>, vector<64x128x64xf32> -> vector<64x128x64xf32>
    %slice3A_21 = vector.extract_strided_slice %get3A_15 {offsets = [2, 0, 0], sizes = [1, 32, 64], strides = [1, 1, 1]} : vector<3x32x64xbf16> to vector<1x32x64xbf16>
    %squeeze3A_22 = vector.shape_cast %slice3A_21 : vector<1x32x64xbf16> to vector<32x64xbf16>
    %dot_general3A_23 = arith.constant dense<0.000000e+00> : vector<64x128x64xf32>
    %dot_general3A_24 = tpu.matmul %convert_element_type3A, %squeeze3A_22, %dot_general3A_23 {dimension_numbers = #tpu.dot_dimension_numbers<[1], [0], [0, 2], [1], [0, 0, 0, 2, 1, 1], [], []>, transpose_lhs_hint = false} : vector<64x32x128xbf16>, vector<32x64xbf16>, vector<64x128x64xf32> -> vector<64x128x64xf32>
    %slice3A_25 = vector.extract_strided_slice %dot_general3A_16 {offsets = [0, 0, 0], sizes = [64, 126, 64], strides = [1, 1, 1]} : vector<64x128x64xf32> to vector<64x126x64xf32>
    %slice3A_26 = vector.extract_strided_slice %dot_general3A_20 {offsets = [0, 1, 0], sizes = [64, 126, 64], strides = [1, 1, 1]} : vector<64x128x64xf32> to vector<64x126x64xf32>
    %add3A = arith.addf %slice3A_25, %slice3A_26 : vector<64x126x64xf32>
    %slice3A_27 = vector.extract_strided_slice %dot_general3A_24 {offsets = [0, 2, 0], sizes = [64, 126, 64], strides = [1, 1, 1]} : vector<64x128x64xf32> to vector<64x126x64xf32>
    %add3A_28 = arith.addf %add3A, %slice3A_27 : vector<64x126x64xf32>
    %get3A_29 = arith.constant 0 : index
    %get3A_30 = arith.constant 0 : index
    %get3A_31 = arith.constant 0 : index
    %get3A_32 = vector.load %arg4[%get3A_29, %get3A_30, %get3A_31] : memref<1x1x64xf32, #tpu.memory_space<vmem>>, vector<1x1x64xf32>
    %get3A_33 = vector.shape_cast %get3A_32 : vector<1x1x64xf32> to vector<1x64xf32>
    %broadcast_in_dim3A = vector.shape_cast %get3A_33 : vector<1x64xf32> to vector<1x1x64xf32>
    %add3A_34 = vector.broadcast %broadcast_in_dim3A : vector<1x1x64xf32> to vector<64x126x64xf32>
    %add3A_35 = arith.addf %add3A_28, %add3A_34 : vector<64x126x64xf32>
    %tanh3A = math.tanh %add3A_35 : vector<64x126x64xf32>
    %get3A_36 = arith.constant 0 : index
    %get3A_37 = arith.constant 0 : index
    %get3A_38 = arith.constant 0 : index
    %get3A_39 = vector.load %arg6[%get3A_36, %get3A_37, %get3A_38] : memref<1x8x64xf32, #tpu.memory_space<vmem>>, vector<1x8x64xf32>
    %get3A_40 = vector.shape_cast %get3A_39 : vector<1x8x64xf32> to vector<8x64xf32>
    %dot_general3A_41 = arith.constant dense<0.000000e+00> : vector<64x64xf32>
    %dot_general3A_42 = tpu.matmul %get3A_9, %get3A_40, %dot_general3A_41 {dimension_numbers = #tpu.dot_dimension_numbers<[1], [0], [0], [1], [0, 0, 1, 1], [], []>, transpose_lhs_hint = false} : vector<64x8xf32>, vector<8x64xf32>, vector<64x64xf32> -> vector<64x64xf32>
    %convert_element_type3A_43 = arith.truncf %get3A_9 : vector<64x8xf32> to vector<64x8xbf16>
    %get3A_44 = arith.constant 0 : index
    %get3A_45 = arith.constant 0 : index
    %get3A_46 = arith.constant 0 : index
    %get3A_47 = vector.load %arg5[%get3A_44, %get3A_45, %get3A_46] : memref<1x8x4096xbf16, #tpu.memory_space<vmem>>, vector<1x8x4096xbf16>
    %get3A_48 = vector.shape_cast %get3A_47 : vector<1x8x4096xbf16> to vector<8x4096xbf16>
    %dot_general3A_49 = arith.constant dense<0.000000e+00> : vector<64x4096xf32>
    %dot_general3A_50 = tpu.matmul %convert_element_type3A_43, %get3A_48, %dot_general3A_49 {dimension_numbers = #tpu.dot_dimension_numbers<[1], [0], [0], [1], [0, 0, 1, 1], [], []>, transpose_lhs_hint = false} : vector<64x8xbf16>, vector<8x4096xbf16>, vector<64x4096xf32> -> vector<64x4096xf32>
    %convert_element_type3A_51 = arith.truncf %dot_general3A_50 : vector<64x4096xf32> to vector<64x4096xbf16>
    %reshape3A = vector.shape_cast %convert_element_type3A_51 : vector<64x4096xbf16> to vector<64x64x64xbf16>
    %convert_element_type3A_52 = arith.truncf %tanh3A : vector<64x126x64xf32> to vector<64x126x64xbf16>
    %dot_general3A_53 = arith.constant dense<0.000000e+00> : vector<64x126x64xf32>
    %dot_general3A_54 = tpu.matmul %convert_element_type3A_52, %reshape3A, %dot_general3A_53 {dimension_numbers = #tpu.dot_dimension_numbers<[2], [1], [1], [2], [0, 0, 0, 1, 1, 2], [0], [0]>, transpose_lhs_hint = false} : vector<64x126x64xbf16>, vector<64x64x64xbf16>, vector<64x126x64xf32> -> vector<64x126x64xf32>
    %broadcast_in_dim3A_55 = vector.shape_cast %dot_general3A_42 : vector<64x64xf32> to vector<64x1x64xf32>
    %add3A_56 = vector.broadcast %broadcast_in_dim3A_55 : vector<64x1x64xf32> to vector<64x126x64xf32>
    %add3A_57 = arith.addf %dot_general3A_54, %add3A_56 : vector<64x126x64xf32>
    %transpose3A = tpu.transpose %add3A_57, [0, 2, 1] : vector<64x126x64xf32> -> vector<64x64x126xf32>
    %swap3A = arith.constant 0 : index
    %swap3A_58 = arith.constant 0 : index
    %swap3A_59 = arith.constant 0 : index
    %swap3A_60 = arith.constant 0 : index
    %swap3A_61 = vector.load %arg9[%swap3A, %swap3A_58, %swap3A_59, %swap3A_60] : memref<64x1x64x126xf32, #tpu.memory_space<vmem>>, vector<64x1x64x126xf32>
    %swap3A_62 = vector.shape_cast %swap3A_61 : vector<64x1x64x126xf32> to vector<64x64x126xf32>
    %swap3A_63 = vector.shape_cast %transpose3A : vector<64x64x126xf32> to vector<64x1x64x126xf32>
    tpu.vector_store %arg9[%swap3A, %swap3A_58, %swap3A_59, %swap3A_60], %swap3A_63 {strides = array<i32>} : memref<64x1x64x126xf32, #tpu.memory_space<vmem>>, vector<64x1x64x126xf32>,
    %eq3A = arith.constant 3 : i32
    %eq3A_64 = arith.cmpi eq, %arg0, %eq3A : i32
    %eq3A_65 = arith.constant 15 : i32
    %eq3A_66 = arith.cmpi eq, %arg1, %eq3A_65 : i32
    %and3A = arith.andi %eq3A_64, %eq3A_66 : i1
    %convert_element_type3A_67 = arith.extui %and3A : i1 to i32
    %cond3A = arith.constant 0 : i32
    %cond3A_68 = arith.cmpi ne, %convert_element_type3A_67, %cond3A : i32
    scf.if %cond3A_68 {
      %get3A_69 = arith.constant 0 : index
      %get3A_70 = arith.constant 0 : index
      %get3A_71 = arith.constant 0 : index
      %get3A_72 = arith.constant 0 : index
      %get3A_73 = vector.load %arg8[%get3A_69, %get3A_70, %get3A_71, %get3A_72] : memref<2x4x8x128xf32, #tpu.memory_space<vmem>>, vector<2x4x8x128xf32>
      %reduce_sum3A = arith.constant dense<0.000000e+00> : vector<2x4x8xf32>
      %reduce_sum3A_74 = vector.multi_reduction <add>, %get3A_73, %reduce_sum3A [3] : vector<2x4x8x128xf32> to vector<2x4x8xf32>
      %slice3A_75 = vector.extract_strided_slice %reduce_sum3A_74 {offsets = [0, 0, 0], sizes = [1, 4, 8], strides = [1, 1, 1]} : vector<2x4x8xf32> to vector<1x4x8xf32>
      %squeeze3A_76 = vector.shape_cast %slice3A_75 : vector<1x4x8xf32> to vector<4x8xf32>
      %reduce_sum3A_77 = arith.constant dense<0.000000e+00> : vector<4xf32>
      %reduce_sum3A_78 = vector.multi_reduction <add>, %squeeze3A_76, %reduce_sum3A_77 [1] : vector<4x8xf32> to vector<4xf32>
      %broadcast_in_dim3A_79 = vector.shape_cast %reduce_sum3A_78 : vector<4xf32> to vector<4x1xf32>
      %div3A = arith.constant 8.000000e+00 : f32
      %div3A_80 = vector.broadcast %div3A : f32 to vector<4x1xf32>
      %div3A_81 = arith.divf %broadcast_in_dim3A_79, %div3A_80 : vector<4x1xf32>
      %sub3A = vector.broadcast %div3A_81 : vector<4x1xf32> to vector<4x8xf32>
      %sub3A_82 = arith.subf %squeeze3A_76, %sub3A : vector<4x8xf32>
      %integer_pow3A = arith.mulf %sub3A_82, %sub3A_82 : vector<4x8xf32>
      %reduce_sum3A_83 = arith.constant dense<0.000000e+00> : vector<4xf32>
      %reduce_sum3A_84 = vector.multi_reduction <add>, %integer_pow3A, %reduce_sum3A_83 [1] : vector<4x8xf32> to vector<4xf32>
      %broadcast_in_dim3A_85 = vector.shape_cast %reduce_sum3A_84 : vector<4xf32> to vector<4x1xf32>
      %div3A_86 = arith.constant 7.000000e+00 : f32
      %div3A_87 = vector.broadcast %div3A_86 : f32 to vector<4x1xf32>
      %div3A_88 = arith.divf %broadcast_in_dim3A_85, %div3A_87 : vector<4x1xf32>
      %mul3A = arith.mulf %div3A_81, %div3A_81 : vector<4x1xf32>
      %add3A_89 = arith.constant 1.000000e-10 : f32
      %add3A_90 = vector.broadcast %add3A_89 : f32 to vector<4x1xf32>
      %add3A_91 = arith.addf %mul3A, %add3A_90 : vector<4x1xf32>
      %div3A_92 = arith.divf %div3A_88, %add3A_91 : vector<4x1xf32>
      %reduce_sum3A_93 = vector.shape_cast %div3A_92 : vector<4x1xf32> to vector<1x4x1xf32>
      %reduce_sum3A_94 = arith.constant dense<0.000000e+00> : vector<1xf32>
      %reduce_sum3A_95 = vector.multi_reduction <add>, %reduce_sum3A_93, %reduce_sum3A_94 [1, 2] : vector<1x4x1xf32> to vector<1xf32>
      %reduce_sum3A_96 = vector.shape_cast %reduce_sum3A_95 : vector<1xf32> to vector<1x1x1xf32>
      %reduce_sum3A_97 = vector.extract %reduce_sum3A_96[0, 0, 0] : f32 from vector<1x1x1xf32>
      %broadcast_in_dim3A_98 = vector.broadcast %reduce_sum3A_97 : f32 to vector<1x1xf32>
      %slice3A_99 = vector.extract_strided_slice %reduce_sum3A_74 {offsets = [1, 0, 0], sizes = [1, 4, 8], strides = [1, 1, 1]} : vector<2x4x8xf32> to vector<1x4x8xf32>
      %squeeze3A_100 = vector.shape_cast %slice3A_99 : vector<1x4x8xf32> to vector<4x8xf32>
      %reduce_sum3A_101 = arith.constant dense<0.000000e+00> : vector<4xf32>
      %reduce_sum3A_102 = vector.multi_reduction <add>, %squeeze3A_100, %reduce_sum3A_101 [1] : vector<4x8xf32> to vector<4xf32>
      %broadcast_in_dim3A_103 = vector.shape_cast %reduce_sum3A_102 : vector<4xf32> to vector<4x1xf32>
      %div3A_104 = arith.constant 8.000000e+00 : f32
      %div3A_105 = vector.broadcast %div3A_104 : f32 to vector<4x1xf32>
      %div3A_106 = arith.divf %broadcast_in_dim3A_103, %div3A_105 : vector<4x1xf32>
      %sub3A_107 = vector.broadcast %div3A_106 : vector<4x1xf32> to vector<4x8xf32>
      %sub3A_108 = arith.subf %squeeze3A_100, %sub3A_107 : vector<4x8xf32>
      %integer_pow3A_109 = arith.mulf %sub3A_108, %sub3A_108 : vector<4x8xf32>
      %reduce_sum3A_110 = arith.constant dense<0.000000e+00> : vector<4xf32>
      %reduce_sum3A_111 = vector.multi_reduction <add>, %integer_pow3A_109, %reduce_sum3A_110 [1] : vector<4x8xf32> to vector<4xf32>
      %broadcast_in_dim3A_112 = vector.shape_cast %reduce_sum3A_111 : vector<4xf32> to vector<4x1xf32>
      %div3A_113 = arith.constant 7.000000e+00 : f32
      %div3A_114 = vector.broadcast %div3A_113 : f32 to vector<4x1xf32>
      %div3A_115 = arith.divf %broadcast_in_dim3A_112, %div3A_114 : vector<4x1xf32>
      %mul3A_116 = arith.mulf %div3A_106, %div3A_106 : vector<4x1xf32>
      %add3A_117 = arith.constant 1.000000e-10 : f32
      %add3A_118 = vector.broadcast %add3A_117 : f32 to vector<4x1xf32>
      %add3A_119 = arith.addf %mul3A_116, %add3A_118 : vector<4x1xf32>
      %div3A_120 = arith.divf %div3A_115, %add3A_119 : vector<4x1xf32>
      %reduce_sum3A_121 = vector.shape_cast %div3A_120 : vector<4x1xf32> to vector<1x4x1xf32>
      %reduce_sum3A_122 = arith.constant dense<0.000000e+00> : vector<1xf32>
      %reduce_sum3A_123 = vector.multi_reduction <add>, %reduce_sum3A_121, %reduce_sum3A_122 [1, 2] : vector<1x4x1xf32> to vector<1xf32>
      %reduce_sum3A_124 = vector.shape_cast %reduce_sum3A_123 : vector<1xf32> to vector<1x1x1xf32>
      %reduce_sum3A_125 = vector.extract %reduce_sum3A_124[0, 0, 0] : f32 from vector<1x1x1xf32>
      %broadcast_in_dim3A_126 = vector.broadcast %reduce_sum3A_125 : f32 to vector<1x1xf32>
      %add3A_127 = arith.addf %broadcast_in_dim3A_98, %broadcast_in_dim3A_126 : vector<1x1xf32>
      %mul3A_128 = arith.constant 0.00999999977 : f32
      %mul3A_129 = vector.broadcast %mul3A_128 : f32 to vector<1x1xf32>
      %mul3A_130 = arith.mulf %mul3A_129, %add3A_127 : vector<1x1xf32>
      %swap3A_131 = arith.constant 0 : index
      %swap3A_132 = arith.constant 0 : index
      %swap3A_133 = vector.load %arg10[%swap3A_131, %swap3A_132] : memref<1x1xf32, #tpu.memory_space<vmem>>, vector<1x1xf32>
      tpu.vector_store %arg10[%swap3A_131, %swap3A_132], %mul3A_130 {strides = array<i32>} : memref<1x1xf32, #tpu.memory_space<vmem>>, vector<1x1xf32>,
    } else {
    }
    return
  }
  func.func @transform_0(%arg0: i32, %arg1: i32) -> (i32, i32, i32, i32) {
    %c0_i32 = arith.constant 0 : i32
    %c0_i32_0 = arith.constant 0 : i32
    %c0_i32_1 = arith.constant 0 : i32
    return %arg1, %arg0, %c0_i32, %c0_i32_0 : i32, i32, i32, i32
  }
  func.func @transform_1(%arg0: i32, %arg1: i32) -> (i32, i32, i32, i32) {
    %c0_i32 = arith.constant 0 : i32
    %c0_i32_0 = arith.constant 0 : i32
    %c0_i32_1 = arith.constant 0 : i32
    %c0_i32_2 = arith.constant 0 : i32
    return %arg0, %c0_i32, %c0_i32_0, %c0_i32_1 : i32, i32, i32, i32
  }
  func.func @transform_2(%arg0: i32, %arg1: i32) -> (i32, i32, i32) {
    %c0_i32 = arith.constant 0 : i32
    %c0_i32_0 = arith.constant 0 : i32
    %c0_i32_1 = arith.constant 0 : i32
    return %arg0, %c0_i32, %c0_i32_0 : i32, i32, i32
  }
  func.func @transform_3(%arg0: i32, %arg1: i32) -> (i32, i32, i32) {
    %c0_i32 = arith.constant 0 : i32
    %c0_i32_0 = arith.constant 0 : i32
    %c0_i32_1 = arith.constant 0 : i32
    return %arg0, %c0_i32, %c0_i32_0 : i32, i32, i32
  }
  func.func @transform_4(%arg0: i32, %arg1: i32) -> (i32, i32, i32) {
    %c0_i32 = arith.constant 0 : i32
    %c0_i32_0 = arith.constant 0 : i32
    %c0_i32_1 = arith.constant 0 : i32
    return %arg0, %c0_i32, %c0_i32_0 : i32, i32, i32
  }
  func.func @transform_5(%arg0: i32, %arg1: i32) -> (i32, i32, i32) {
    %c0_i32 = arith.constant 0 : i32
    %c0_i32_0 = arith.constant 0 : i32
    return %arg0, %arg1, %c0_i32 : i32, i32, i32
  }
  func.func @transform_6(%arg0: i32, %arg1: i32) -> (i32, i32, i32, i32) {
    %c0_i32 = arith.constant 0 : i32
    %c0_i32_0 = arith.constant 0 : i32
    %c0_i32_1 = arith.constant 0 : i32
    %c0_i32_2 = arith.constant 0 : i32
    %c0_i32_3 = arith.constant 0 : i32
    return %c0_i32, %c0_i32_0, %c0_i32_1, %c0_i32_2 : i32, i32, i32, i32
  }
  func.func @transform_7(%arg0: i32, %arg1: i32) -> (i32, i32, i32, i32) {
    %c0_i32 = arith.constant 0 : i32
    %c0_i32_0 = arith.constant 0 : i32
    %c0_i32_1 = arith.constant 0 : i32
    return %arg1, %arg0, %c0_i32, %c0_i32_0 : i32, i32, i32, i32
  }
  func.func @transform_8(%arg0: i32, %arg1: i32) -> (i32, i32) {
    %c0_i32 = arith.constant 0 : i32
    %c0_i32_0 = arith.constant 0 : i32
    %c0_i32_1 = arith.constant 0 : i32
    return %c0_i32, %c0_i32_0 : i32, i32
  }
}

</mosaic_0001>

<sc_bundles>
// kernel: kernel.4.cloned.1.call-start
scs
__scs_entry_jumppad:
0x0: {  	(pc) =	sbr.rel $0x88, $3  }
0x1: {  	(tag) =	ssettag $0x0;
	lr =	simm.s32 $0x1  }
0x2: {  	[smem:$0x3F9B] =	sst lr;
	_ =	strace $0xD0000000  }
0x3: {  	_ = 	snop  }
0x4: {  	_ = 	snop  }
0x5: {  	_ = 	snop  }
0x6: {  	_ = 	snop  }
0x7: {  	_ = 	snop  }
__scs_overlays_trampoline_lowered:
0x8: {  	[smem:$0x3FAA] =	sst s0  }
0x9: {  	[smem:$0x3FAB] =	sst s1  }
0xa: {  	[smem:$0x3FAC] =	sst s2  }
0xb: {  	[smem:$0x3FAD] =	sst s3  }
0xc: {  	[smem:$0x3FAE] =	sst s4  }
0xd: {  	[smem:$0x3FAF] =	sst s5  }
0xe: {  	[smem:$0x3FB0] =	sst s6  }
0xf: {  	[smem:$0x3FB1] =	sst s7  }
0x10: {  	[smem:$0x3FB2] =	sst s8  }
0x11: {  	[smem:$0x3FB3] =	sst s9;
	s0 =	simm.s32 @!p0 $0x0  }
0x12: {  	s1 =	sld [smem:$0x3F99];
	s0 =	simm.s32 @p0 $0x1  }
0x13: {  	[smem:$0x3FB4] =	sst s0;
	s0 =	simm.s32 @!p1 $0x0  }
0x14: {  	s2 =	sld [smem:$0x3F98];
	s0 =	simm.s32 @p1 $0x1  }
0x15: {  	[smem:$0x3FB5] =	sst s0;
	s0 =	simm.s32 @!p2 $0x0  }
0x16: {  	s3 =	sld [smem:$0x3FDB];
	s0 =	simm.s32 @p2 $0x1  }
0x17: {  	s4 =	simm.s32 $0x1BF5;
	[smem:$0x3FB7] =	sst s0  }
0x18: {  	s0 =	sld [smem:$0x3F9A];
	_ =	swait.ge [sflag:s4], $0x0  }
0x19: {  	s7 =	sld [smem:$0x3F9B]  }
0x1a: {  	s8 =	sadd.s32 $0xFFFFE003, lr  }
0x1b: {  	s9 =	sadd.s32 $0xFFFFFEF7, lr;
	s5 =	simm.s32 $0xFFFFFFFF;
	p2 =	slt.u32 s8, $0xFFFFF086  }
0x1c: {  	p1 =	slt.u32 s9, $0xF7A;
	s5 =	simm.s32 @!p2 $0x0  }
0x1d: {  	s5 =	simm.s32 @p1 $0x1;
	p0 =	seq.s32 s7, s2  }
0x1e: {  	s7 =	smul.u32 @!p0 $0xF7A, s2;
	p2 =	seq.s32 @!p0 s5, $0x0  }
0x1f: {  	s9 =	smul.u32 $0xF7A, s1;
	s8 =	simm.s32 @!p0 $0x1BF5;
	p2 =	por !p2, p0  }
0x20: {  	[sflag:s8] =	ssyncset.s32 @!p0 $0xFFFFF086;
	s6 =	sadd.s32 @!p0 s3, s7;
	s7 =	simm.s32 @!p0 $0x108  }
0x21: {  	s3 =	sadd.s32 s3, s9;
	s6 =	sadd.s32 @!p0 $0x88, s6;
	s7 =	simm.s32 @p2 $0x1082  }
0x22: {  	[simem:s7], [sflag:s8] =	dma.local @!p0 [hbm:s6], $0xF7A  }
0x23: {  	s9 =	sor.u32 $0xD0000000, s2;
	s6 =	simm.s32 $0x108;
	_ =	swait.ge @!p0 [sflag:s8], $0x0  }
0x24: {  	s3 =	sadd.s32 $0x88, s3;
	s6 =	simm.s32 @!p1 $0x1082;
	[sflag:s4] =	ssyncset.s32 $0xFFFFF086  }
0x25: {  	[simem:s6], [sflag:s4] =	dma.local [hbm:s3], $0xF7A  }
0x26: {  	[smem:$0x3F9B] =	sst s1;
	(tag) =	ssettag s2;
	_ =	strace s9  }
0x27: {  	s1 =	sld [smem:$0x3FAB]  }
0x28: {  	s2 =	sld [smem:$0x3FAC]  }
0x29: {  	s4 =	sld [smem:$0x3FAE]  }
0x2a: {  	p0 =	seq.s32 s5, $0x0;
	s5 =	sld [smem:$0x3FAF]  }
0x2b: {  	s6 =	sld [smem:$0x3FB0]  }
0x2c: {  	s7 =	sld [smem:$0x3FB1]  }
0x2d: {  	s3 =	simm.s32 $0x108;
	s8 =	sld [smem:$0x3FB2]  }
0x2e: {  	s3 =	simm.s32 @!p0 $0x1082;
	s9 =	sld [smem:$0x3FB3]  }
0x2f: {  	lr =	sadd.s32 s0, s3;
	s0 =	sld [smem:$0x3FAA]  }
0x30: {  	s3 =	sld [smem:$0x3FAD]  }
0x31: {  	[smem:$0x3FB6] =	sst s10  }
0x32: {  	s10 =	sld [smem:$0x3FB4];
	_ =	sdelay $0x3  }
0x33: {  	p0 =	seq.s32 s10, $0x1;
	s10 =	sld [smem:$0x3FB6];
	_ =	sdelay $0x3  }
0x34: {  	[smem:$0x3FB6] =	sst s10  }
0x35: {  	s10 =	sld [smem:$0x3FB5];
	_ =	sdelay $0x3  }
0x36: {  	p1 =	seq.s32 s10, $0x1;
	s10 =	sld [smem:$0x3FB6];
	_ =	sdelay $0x3  }
0x37: {  	[smem:$0x3FB6] =	sst s10  }
0x38: {  	s10 =	sld [smem:$0x3FB7]  }
0x39: {  	_ = 	snop;
	(pc) =	sbr.ind lr, $3  }
0x3a: {  	_ = 	snop  }
0x3b: {  	_ = 	snop  }
0x3c: {  	p2 =	seq.s32 s10, $0x1;
	s10 =	sld [smem:$0x3FB6]  }
0x3d: {  	_ =	shalt  }
0x3e: {  	_ =	shalt  }
0x3f: {  	_ =	shalt  }
0x40: {  	_ =	shalt  }
0x41: {  	_ =	shalt  }
0x42: {  	_ =	shalt  }
0x43: {  	_ =	shalt  }
0x44: {  	_ =	shalt  }
0x45: {  	_ =	shalt  }
0x46: {  	_ =	shalt  }
0x47: {  	_ =	shalt  }
0x48: {  	_ =	shalt  }
0x49: {  	_ =	shalt  }
0x4a: {  	_ =	shalt  }
0x4b: {  	_ =	shalt  }
0x4c: {  	_ =	shalt  }
0x4d: {  	_ =	shalt  }
0x4e: {  	_ =	shalt  }
0x4f: {  	_ =	shalt  }
0x50: {  	_ =	shalt  }
0x51: {  	_ =	shalt  }
0x52: {  	_ =	shalt  }
0x53: {  	_ =	shalt  }
0x54: {  	_ =	shalt  }
0x55: {  	_ =	shalt  }
0x56: {  	_ =	shalt  }
0x57: {  	_ =	shalt  }
0x58: {  	_ =	shalt  }
0x59: {  	_ =	shalt  }
0x5a: {  	_ =	shalt  }
0x5b: {  	_ =	shalt  }
0x5c: {  	_ =	shalt  }
0x5d: {  	_ =	shalt  }
0x5e: {  	_ =	shalt  }
0x5f: {  	_ =	shalt  }
0x60: {  	_ =	shalt  }
0x61: {  	_ =	shalt  }
0x62: {  	_ =	shalt  }
0x63: {  	_ =	shalt  }
0x64: {  	_ =	shalt  }
0x65: {  	_ =	shalt  }
0x66: {  	_ =	shalt  }
0x67: {  	_ =	shalt  }
0x68: {  	_ =	shalt  }
0x69: {  	_ =	shalt  }
0x6a: {  	_ =	shalt  }
0x6b: {  	_ =	shalt  }
0x6c: {  	_ =	shalt  }
0x6d: {  	_ =	shalt  }
0x6e: {  	_ =	shalt  }
0x6f: {  	_ =	shalt  }
0x70: {  	_ =	shalt  }
0x71: {  	_ =	shalt  }
0x72: {  	_ =	shalt  }
0x73: {  	_ =	shalt  }
0x74: {  	_ =	shalt  }
0x75: {  	_ =	shalt  }
0x76: {  	_ =	shalt  }
0x77: {  	_ =	shalt  }
0x78: {  	_ =	shalt  }
0x79: {  	_ =	shalt  }
0x7a: {  	_ =	shalt  }
0x7b: {  	_ =	shalt  }
0x7c: {  	_ =	shalt  }
0x7d: {  	_ =	shalt  }
0x7e: {  	_ =	shalt  }
0x7f: {  	_ =	shalt  }
0x80: {  	_ =	shalt  }
0x81: {  	_ =	shalt  }
0x82: {  	_ =	shalt  }
0x83: {  	_ =	shalt  }
0x84: {  	_ =	shalt  }
0x85: {  	_ =	shalt  }
0x86: {  	_ =	shalt  }
0x87: {  	_ =	shalt  }
.Lfunc_end0:
.L_simem_size_0:
called_computation_lowered:
.L_overlay_start_0:
0x88: {  	s2 =	sld [smem:$0x3FD9]  }
0x89: {  	s3 =	sld [smem:$0x3FFE];
	_ =	sdelay $0x1  }
0x8a: {  	s1 =	srdreg.scid  }
0x8b: {  	s0 =	sand.u32 $0x1, s1  }
0x8c: {  	s14 =	sshll.u32 s0, $0xA;
	s2 =	sadd.s32 s3, s2  }
0x8d: {  	s2 =	sadd.s32 s2, s14  }
0x8e: {  	[smem:$0x3FC2] =	sst s2  }
0x8f: {  	_ = 	snop  }
0x90: {  	s2 =	sld [smem:$0x3FD0];
	_ =	sdelay $0x2  }
0x91: {  	s15 =	simm.s32 $0xA;
	s4 =	simm.s32 $0x10  }
0x92: {  	[smem:s4], [sflag:s15] =	dma.local [hbm:s2], $0x1  }
0x93: {  	_ =	swait.eq [sflag:s15], $0x1  }
0x94: {  	[sflag:s15] =	ssyncset.done $0x0  }
0x95: {  	s16 =	sld [smem:$0x10];
	[sflag:s15] =	ssyncadd.s32 $0xFFFFFFFF  }
0x96: {  	s17 =	sld [smem:$0x12];
	(tm) =	ssettm $0x1  }
0x97: {  	s18 =	sld [smem:$0x3FFB];
	_ =	sdelay $0x3  }
0x98: {  	_ =	strace s18  }
0x99: {  	s4 =	sld [smem:$0x3FFC];
	_ =	sdelay $0x3  }
0x9a: {  	_ =	strace s4  }
0x9b: {  	s4 =	sld [smem:$0x3FFD];
	_ =	sdelay $0x3  }
0x9c: {  	_ =	strace s4  }
0x9d: {  	_ =	strace $0x8FFFFFFF  }
0x9e: {  	s19 =	sld [smem:$0x3FDB];
	_ =	sdelay $0x1  }
0x9f: {  	s5 =	simm.s32 $_scs_section_size  }
0xa0: {  	s6 =	simm.s32 $_size__tile_overlayer_lowered;
	s7 =	simm.s32 $_tile_overlayer_lowered  }
0xa1: {  	s22 =	simm.s32 $0x1BFF;
	s21 =	sshll.u32 s7, $0x1;
	s4 =	sadd.s32 s5, s19  }
0xa2: {  	s8 =	simm.s32 $0x0;
	s20 =	sshll.u32 s6, $0x1;
	s6 =	sadd.s32 s21, s4  }
0xa3: {  	[timem:s8], [sflag:s22] =	dma.local [hbm:s6], s20  }
0xa4: {  	_ =	swait.ge [sflag:s22], s20  }
0xa5: {  	s5 =	ssub.s32 $0x0, s20;
	[sflag:s22] =	ssyncset.done $0x0  }
0xa6: {  	[sflag:s22] =	ssyncadd.s32 s5;
	_ =	sdelay $0x1  }
0xa7: {  	s23 =	simm.s32 $0x1B8B  }
0xa8: {  	_ =	swait.ge [sflag:s23], $0x1  }
0xa9: {  	[sflag:s23] =	ssyncset.done $0x0  }
0xaa: {  	s25 =	simm.s32 $0x1B8E;
	s24 =	sld [smem:$0x3FFE];
	[sflag:s23] =	ssyncadd.s32 $0xFFFFFFFF  }
0xab: {  	s26 =	simm.s32 $execute0_lowered;
	[smem:$0x3FD2] =	sst s25  }
0xac: {  	s6 =	sshll.u32 s26, $0x1;
	_ =	strace $0x80000046;
	[dreg:$0x1] =	wrdreg $0xFFFFFFFF  }
0xad: {  	s28 =	simm.s32 $_size_execute0_lowered;
	s4 =	sadd.s32 s4, s6;
	[dreg:$0x0] =	wrdreg $0x0  }
0xae: {  	s6 =	sshll.u32 s28, $0x1;
	[dreg:$0x2] =	wrdreg s4  }
0xaf: {  	[dreg:$0x3] =	wrdreg s6  }
0xb0: {  	[dreg:$0x4] =	wrdreg $0xC0  }
0xb1: {  	_ =	task [dreg:s8], $0x5FFFF  }
0xb2: {  	[dreg:$0x1] =	wrdreg $0xFFFFFFFF  }
0xb3: {  	[dreg:$0x0] =	wrdreg $0x60  }
0xb4: {  	[dreg:$0x2] =	wrdreg s16  }
0xb5: {  	[dreg:$0x3] =	wrdreg s17  }
0xb6: {  	[dreg:$0x4] =	wrdreg s24  }
0xb7: {  	[dreg:$0x5] =	wrdreg $0x9  }
0xb8: {  	_ =	task.clear_ibuf [dreg:s8], $0x6FFFF;
	_ =	strace $0x90000046  }
0xb9: {  	s29 =	simm.s32 $0x9;
	_ =	strace $0x80000048  }
0xba: {  	_ =	swait.ge [sflag:s29], $0x1  }
0xbb: {  	[sflag:s29] =	ssyncadd.s32 $0xFFFFFFFF  }
0xbc: {  	_ =	strace $0x90000048  }
0xbd: {  	_ =	sfence  }
0xbe: {  	s30 =	sld [smem:$0x0];
	_ =	sdelay $0x2  }
0xbf: {  	s31 =	sshll.u32 s1, $0xD;
	s1 =	sshrl.u32 s1, $0x2  }
0xc0: {  	s3 =	sand.u32 $0x4000, s31;
	s1 =	sadd.s32 s1, s30  }
0xc1: {  	s0 =	sor.u32 s3, s0;
	s1 =	sshll.u32 s1, $0x11  }
0xc2: {  	s0 =	sor.u32 s1, s0  }
0xc3: {  	s0 =	sadd.s32 $0x8F2B, s0  }
0xc4: {  	[sflag:s0] =	ssyncadd.remote.s32 $0x1  }
0xc5: {  	_ =	sfence.sel $0xFFFF  }
0xc6: {  	[dreg:$0x0] =	wrdreg $0xFFFFFFFF;
	(pc) =	sbr.abs _section_cstart, $3  }
0xc7: {  	[dreg:$0x1] =	wrdreg $0xFFFFFFFF  }
0xc8: {  	_ =	task.clear_ibuf [dreg:s8], $0x2FFFF;
	_ =	strace $0x9FFFFFFF  }
0xc9: {  	(tm) =	ssettm $0x7FFFFFFF  }
tec
execute0_lowered:
.L_overlay_start_1:
0x0: {  	(tag) =	ssettag $0x1  }
0x1: {  	s0 =	rddreg [dreg:$0x0]  }
0x2: {  	s6 =	stileid.u32;
	s1 =	rddreg [dreg:$0x1]  }
0x3: {  	s2 =	srdreg.scid;
	s4 =	rddreg [dreg:$0x2]  }
0x4: {  	s13 =	simm.s32 $0x8000;
	s14 =	simm.s32 $0x8500;
	s15 =	simm.s32 $0xC500  }
0x5: {  	s16 =	simm.s32 $0xC900;
	s17 =	simm.s32 $0xC580;
	s28 =	simm.s32 $0xC800  }
0x6: {  	s29 =	simm.s32 $0xCC00;
	s30 =	simm.s32 $0xC880;
	s31 =	simm.s32 $0xCC80  }
0x7: {  	s3 =	sshll.u32 s6, $0x1;
	s5 =	sand.u32 $0x1, s2;
	s19 =	sshrl.u32 s6, $0x2  }
0x8: {  	s2 =	simm.s32 $0x0;
	s18 =	sand.u32 $0x6, s3;
	s8 =	sshll.u32 s19, $0x11  }
0x9: {  	[smem:$0x7FF] =	sst s2;
	s9 =	sshll.u32 s19, $0xA;
	s10 =	sshll.u32 s19, $0x8  }
0xa: {  	s22 =	sshll.u32 s19, $0x4;
	s19 =	simm.s32 $0xC600;
	s20 =	sor.u32 s5, s18  }
0xb: {  	_ =	strace $0x80000047;
	s5 =	ssub.s32 $0x2, s5;
	s0 =	sadd.s32 s0, s10  }
0xc: {  	s18 =	simm.s32 $0xC980;
	s7 =	sshll.u32 s20, $0xE;
	s21 =	sshrl.u32 s5, $0x1  }
0xd: {  	s6 =	sshll.u32 s20, $0x4;
	s20 =	simm.s32 $0xCA00;
	s8 =	sor.u32 s8, s7  }
0xe: {  	s5 =	ssub.s32 s5, s21;
	s0 =	sadd.s32 s7, s0;
	s21 =	simm.s32 $0xC680  }
0xf: {  	s8 =	sshrl.u32 s8, $0x3;
	[dreg:$0x4] =	wrdreg s0;
	s0 =	sadd.s32 s1, s22  }
0x10: {  	s26 =	smax.u32 s5, $0x1;
	s5 =	simm.s32 $0x80;
	s22 =	simm.s32 $0xCA80  }
0x11: {  	v0 =	vlaneseq.u32;
	s1 =	simm.s32 $0x2;
	s8 =	sadd.s32 s8, s4;
	[dreg:$0x5] =	wrdreg s0  }
0x12: {  	v2 =	vand.u32 $0x7, v0;
	s4 =	sadd.s32 s9, s4;
	[dreg:$0x8] =	wrdreg s26;
	s26 =	simm.s32 $0xCB80  }
0x13: {  	v0 =	vmul.u32 $0x80, v2;
	s23 =	sadd.s32 s6, s4;
	s24 =	sadd.s32 $0x3400, s8;
	s8 =	simm.s32 $0x0  }
0x14: {  	[dreg:$0x6] =	wrdreg s24;
	s25 =	sadd.s32 $0x1400, s23;
	s23 =	simm.s32 $0xC700  }
0x15: {  	v1 =	vimm.f32 $0.0e+00;
	[tilespmem:$0x1FFF0] =	vst v0;
	s24 =	simm.s32 $0xCB00;
	[dreg:$0x7] =	wrdreg s25;
	s25 =	simm.s32 $0xC780  }
.LBB2_1:
0x16: {  	s0 =	rddreg [dreg:$0x4]  }
0x17: {  	s3 =	simm.s32 $0x800;
	s4 =	simm.s32 $0x2000;
	s10 =	simm.s32 $0x1  }
0x18: {  	[tilespmem:s2], [sflag:$0x1] =	stream.strided.gather [hbm4b:s0+s3], $0x8000, s4, s3, $0x38;
	[tilespmem:$0xCD00] =	vst v63  }
0x19: {  	_ =	swait.ge [sflag:s10], $0x8000  }
0x1a: {  	[sflag:s10] =	ssyncset.done $0x0  }
0x1b: {  	s12 =	simm.s32 $0x200;
	s11 =	rddreg [dreg:$0x5];
	[sflag:s10] =	ssyncadd.s32 $0xFFFF8000  }
0x1c: {  	[tilespmem:s13], [sflag:$0x1] =	stream.strided.gather [hbm4b:s11+s5], $0x500, s12, s5, $0x38;
	[tilespmem:$0xCD00] =	vst v63  }
0x1d: {  	_ =	swait.ge [sflag:s10], $0x500  }
0x1e: {  	[sflag:s10] =	ssyncset.done $0x0  }
0x1f: {  	[sflag:s10] =	ssyncadd.s32 $0xFFFFFB00  }
0x20: {  	[tilespmem:$0xC500] =	vst v1  }
0x21: {  	[tilespmem:$0xC580] =	vst v1  }
0x22: {  	[tilespmem:$0xC600] =	vst v1  }
0x23: {  	[tilespmem:$0xC680] =	vst v1  }
0x24: {  	[tilespmem:$0xC700] =	vst v1  }
0x25: {  	[tilespmem:$0xC780] =	vst v1  }
0x26: {  	[tilespmem:$0xC800] =	vst v1  }
0x27: {  	[tilespmem:$0xC880] =	vst v1  }
0x28: {  	[tilespmem:$0xC900] =	vst v1  }
0x29: {  	[tilespmem:$0xC980] =	vst v1  }
0x2a: {  	[tilespmem:$0xCA00] =	vst v1  }
0x2b: {  	[tilespmem:$0xCA80] =	vst v1  }
0x2c: {  	[tilespmem:$0xCB00] =	vst v1  }
0x2d: {  	[tilespmem:$0xCB80] =	vst v1  }
0x2e: {  	[tilespmem:$0xCC00] =	vst v1  }
0x2f: {  	s9 =	simm.s32 $0x0;
	[tilespmem:$0xCC80] =	vst v1  }
.LBB2_2:
0x30: {  	s3 =	sshll.u32 s9, $0x4;
	v0 =	vlaneseq.u32;
	s12 =	simm.s32 $0x6;
	s6 =	simm.s32 $0x20  }
0x31: {  	s4 =	simm.s32 $0x21;
	s7 =	simm.s32 $0x22;
	s10 =	simm.s32 $0x23;
	v0 =	vor.u32 s3, v0;
	v5 =	vmov s12;
	v6 =	vmov s6  }
0x32: {  	s5 =	simm.s32 $0x24;
	s11 =	simm.s32 $0x25;
	s0 =	simm.s32 $0x19;
	v7 =	vmov s4;
	v8 =	vmov s7;
	v9 =	vmov s10  }
0x33: {  	s7 =	simm.s32 $0x18;
	v10 =	vmov s5;
	v11 =	vmov s11;
	s5 =	simm.s32 $0x26;
	v13 =	vmov s0  }
0x34: {  	s6 =	simm.s32 $0x1A;
	s10 =	simm.s32 $0x1C;
	s11 =	simm.s32 $0x10;
	v4 =	vshll.u32 v0, $0x8;
	v12 =	vmov s7;
	v14 =	vmov s5  }
0x35: {  	s4 =	simm.s32 $0x1D;
	s3 =	simm.s32 $0x5;
	v15 =	vmov s6;
	v17 =	vmov s10;
	v18 =	vmov s11  }
0x36: {  	v19 =	vmov s4;
	v39 =	vmov s3;
	v41 =	vand.u32 $0x7E, v5  }
0x37: {  	v5 =	vshll.u32 v5, $0x3;
	v6 =	vand.u32 $0xFFFFFFF8, v6;
	v7 =	vand.u32 $0xFFFFFFF9, v7  }
0x38: {  	v8 =	vand.u32 $0xFFFFFFFA, v8;
	v9 =	vand.u32 $0xFFFFFFFB, v9;
	v10 =	vand.u32 $0xFFFFFFFC, v10  }
0x39: {  	s7 =	simm.s32 $0x1B;
	s6 =	simm.s32 $0x1E;
	s10 =	simm.s32 $0x12;
	v11 =	vand.u32 $0xFFFFFFFD, v11;
	v13 =	vand.u32 $0xFFFFFFF9, v13;
	v4 =	vand.u32 $0x7800, v4  }
0x3a: {  	s11 =	simm.s32 $0x13;
	s5 =	simm.s32 $0x14;
	s4 =	simm.s32 $0xA;
	v16 =	vmov s7;
	v20 =	vmov s6;
	v22 =	vmov s10  }
0x3b: {  	v23 =	vmov s11;
	v24 =	vmov s5;
	v29 =	vmov s4  }
0x3c: {  	v12 =	vand.u32 $0xFFFFFFF8, v12;
	v14 =	vand.u32 $0xFFFFFFFE, v14;
	v15 =	vand.u32 $0xFFFFFFFA, v15  }
0x3d: {  	v17 =	vand.u32 $0xFFFFFFFC, v17;
	v6 =	vbroadcast v6, $0x0;
	v7 =	vbroadcast v7, $0x0  }
0x3e: {  	v19 =	vand.u32 $0xFFFFFFFD, v19;
	v8 =	vbroadcast v8, $0x0;
	v9 =	vbroadcast v9, $0x0  }
0x3f: {  	s7 =	simm.s32 $0x11;
	v18 =	vand.u32 $0xFFFFFFF8, v18;
	v10 =	vbroadcast v10, $0x0;
	v11 =	vbroadcast v11, $0x0  }
0x40: {  	s6 =	simm.s32 $0x15;
	s10 =	simm.s32 $0x8;
	s11 =	simm.s32 $0x9;
	v49 =	vand.u32 $0xFFFFFFFD, v39;
	v5 =	vand.u32 $0x400, v5;
	v21 =	vmov s7  }
0x41: {  	s5 =	simm.s32 $0xB;
	s4 =	simm.s32 $0x6;
	v25 =	vmov s6;
	v27 =	vmov s10;
	v28 =	vmov s11  }
0x42: {  	v30 =	vmov s5;
	v40 =	vmov s4;
	v16 =	vand.u32 $0xFFFFFFFB, v16  }
0x43: {  	v20 =	vand.u32 $0xFFFFFFFE, v20;
	v22 =	vand.u32 $0xFFFFFFFA, v22;
	v12 =	vbroadcast v12, $0x0  }
0x44: {  	v44 =	vand.u32 $0xFFFFFFFA, v29;
	v29 =	vbroadcast v13, $0x0;
	v61 =	vbroadcast v15, $0x0  }
0x45: {  	v23 =	vand.u32 $0xFFFFFFFB, v23;
	v17 =	vbroadcast v17, $0x0;
	v19 =	vbroadcast v19, $0x0  }
0x46: {  	s7 =	simm.s32 $0x16;
	s6 =	simm.s32 $0xC;
	v24 =	vand.u32 $0xFFFFFFFC, v24;
	v18 =	vbroadcast v18, $0x0;
	v13 =	vbroadcast v14, $0x0  }
0x47: {  	s10 =	simm.s32 $0x0;
	s11 =	simm.s32 $0x1;
	v5 =	vor.u32 v5, v41;
	v26 =	vmov s7;
	v31 =	vmov s6  }
0x48: {  	v33 =	vmov s10;
	v34 =	vmov s11;
	v21 =	vand.u32 $0xFFFFFFF9, v21  }
0x49: {  	v25 =	vand.u32 $0xFFFFFFFD, v25;
	v27 =	vand.u32 $0xFFFFFFF8, v27;
	v28 =	vand.u32 $0xFFFFFFF9, v28  }
0x4a: {  	[tilespmem:$0x1FFE0] =	vst v0;
	v0 =	vld [tilespmem:$0x1FFF0];
	v30 =	vand.u32 $0xFFFFFFFB, v30;
	v16 =	vbroadcast v16, $0x0;
	v51 =	vbroadcast v22, $0x0  }
0x4b: {  	s7 =	simm.s32 $0xD;
	s6 =	simm.s32 $0xE;
	v50 =	vand.u32 $0xFFFFFFFE, v40;
	v15 =	vbroadcast v20, $0x0;
	v23 =	vbroadcast v23, $0x0;
	v6 =	vld.idx.msk [tilespmem:v6+s13+$0x0], $0xffff  }
0x4c: {  	s10 =	simm.s32 $0x3;
	s11 =	simm.s32 $0x4;
	v44 =	vbroadcast v44, $0x0;
	v32 =	vmov s7;
	v35 =	vmov s6;
	v7 =	vld.idx.msk [tilespmem:v7+s13+$0x0], $0xffff  }
0x4d: {  	v37 =	vmov s10;
	v38 =	vmov s11;
	v26 =	vand.u32 $0xFFFFFFFE, v26;
	v8 =	vld.idx.msk [tilespmem:v8+s13+$0x0], $0xffff  }
0x4e: {  	v31 =	vand.u32 $0xFFFFFFFC, v31;
	v60 =	vand.u32 $0xFFFFFFF8, v33;
	v47 =	vbroadcast v21, $0x0;
	v9 =	vld.idx.msk [tilespmem:v9+s13+$0x0], $0xffff  }
0x4f: {  	v34 =	vand.u32 $0xFFFFFFF9, v34;
	v22 =	vbroadcast v25, $0x0;
	v25 =	vbroadcast v27, $0x0;
	v10 =	vld.idx.msk [tilespmem:v10+s13+$0x0], $0xffff  }
0x50: {  	s7 =	simm.s32 $0x2;
	s6 =	simm.s32 $0x5;
	v39 =	vbroadcast v30, $0x0;
	v41 =	vbroadcast v50, $0x0;
	v4 =	vor.u32 v0, v4;
	v11 =	vld.idx.msk [tilespmem:v11+s13+$0x0], $0xffff  }
0x51: {  	s10 =	simm.s32 $0x3;
	v36 =	vmov s7;
	v42 =	vmov s6;
	v45 =	vand.u32 $0xFFFFFFFD, v32;
	v12 =	vld.idx.msk [tilespmem:v12+s13+$0x0], $0xffff  }
0x52: {  	s11 =	simm.s32 $0x2;
	v35 =	vand.u32 $0xFFFFFFFE, v35;
	v46 =	vmov s10;
	v37 =	vand.u32 $0xFFFFFFFB, v37;
	v53 =	vld.idx.msk [tilespmem:v29+s13+$0x0], $0xffff  }
0x53: {  	s7 =	simm.s32 $0x4;
	v38 =	vand.u32 $0xFFFFFFFC, v38;
	v48 =	vmov s11;
	v32 =	vbroadcast v31, $0x0;
	v54 =	vld.idx.msk [tilespmem:v61+s13+$0x0], $0xffff  }
0x54: {  	v43 =	vmov s7;
	v36 =	vand.u32 $0xFFFFFFFA, v36;
	v29 =	vbroadcast v24, $0x0;
	v24 =	vld.idx.msk [tilespmem:v17+s13+$0x0], $0xffff  }
0x55: {  	v62 =	vand.u32 $0x7D, v42;
	v14 =	vshll.u32 v42, $0x3;
	v5 =	vor.u32 v4, v5;
	v21 =	vld.idx.msk [tilespmem:v19+s13+$0x0], $0xffff  }
0x56: {  	v27 =	vand.u32 $0x7B, v46;
	v33 =	vbroadcast v45, $0x0;
	v30 =	vshll.u32 v46, $0x3;
	v40 =	vld.idx.msk [tilespmem:v18+s13+$0x0], $0xffff  }
0x57: {  	v31 =	vbroadcast v35, $0x0;
	v14 =	vand.u32 $0x400, v14;
	v63 =	vbroadcast v36, $0x0;
	v55 =	vld.idx.msk [tilespmem:v16+s13+$0x0], $0xffff  }
0x58: {  	v56 =	vbroadcast v37, $0x0;
	v45 =	vbroadcast v38, $0x0;
	v14 =	vor.u32 v14, v62;
	v46 =	vld.idx.msk [tilespmem:v51+s13+$0x0], $0xffff  }
0x59: {  	v16 =	vbroadcast v26, $0x0;
	v26 =	vbroadcast v28, $0x0;
	v19 =	vor.u32 v4, v14;
	v42 =	vld.idx.msk [tilespmem:v47+s13+$0x0], $0xffff  }
0x5a: {  	v20 =	vand.u32 $0x7C, v43;
	v17 =	vshll.u32 v43, $0x3;
	v28 =	vbroadcast v34, $0x0;
	v14 =	vld.idx.msk [tilespmem:v5+s2+$0x0], $0xffff  }
0x5b: {  	v18 =	vbroadcast v60, $0x0;
	v17 =	vand.u32 $0x400, v17;
	v47 =	vld.idx.msk [tilespmem:v23+s13+$0x0], $0xffff;
	v23 =	vand.u32 $0x7A, v48  }
0x5c: {  	v5 =	vor.u32 v17, v20;
	v17 =	vshll.u32 v48, $0x3;
	v20 =	vand.u32 $0x400, v30;
	v48 =	vld.idx.msk [tilespmem:v25+s13+$0x0], $0xffff  }
0x5d: {  	v5 =	vor.u32 v4, v5;
	v30 =	vand.u32 $0x400, v17;
	v20 =	vor.u32 v20, v27;
	v52 =	vld.idx.msk [tilespmem:v63+s13+$0x0], $0xffff  }
0x5e: {  	v43 =	vbroadcast v49, $0x0;
	v17 =	vld.idx.msk [tilespmem:v19+s2+$0x0], $0xffff;
	v19 =	vor.u32 v30, v23;
	v23 =	vor.u32 v4, v20  }
0x5f: {  	v49 =	vld.idx.msk [tilespmem:v26+s13+$0x0], $0xffff;
	v25 =	vmul.f32 v6, v14;
	v30 =	vmul.f32 v7, v14  }
0x60: {  	s3 =	simm.s32 $0x27;
	v51 =	vld.idx.msk [tilespmem:v28+s13+$0x0], $0xffff;
	v6 =	vor.u32 v4, v19;
	v26 =	vmul.f32 v8, v14;
	v28 =	vmul.f32 v9, v14  }
0x61: {  	v27 =	vmov s3;
	v50 =	vld.idx.msk [tilespmem:v18+s13+$0x0], $0xffff;
	v19 =	vmul.f32 v10, v14;
	v18 =	vmul.f32 v11, v14  }
0x62: {  	v9 =	vimm.f32 $0.0e+00;
	v10 =	vimm.f32 $0.0e+00;
	v11 =	vimm.f32 $0.0e+00;
	v20 =	vld.idx.msk [tilespmem:v5+s2+$0x0], $0xffff  }
0x63: {  	v7 =	vimm.f32 $0.0e+00;
	v8 =	vimm.f32 $0.0e+00;
	v35 =	vmul.f32 v12, v17;
	v23 =	vld.idx.msk [tilespmem:v23+s2+$0x0], $0xffff  }
0x64: {  	v5 =	vimm.f32 $0.0e+00;
	v38 =	vmul.f32 v53, v17;
	v36 =	vmul.f32 v54, v17;
	v53 =	vld.idx.msk [tilespmem:v56+s13+$0x0], $0xffff  }
0x65: {  	s5 =	simm.s32 $0x1F;
	s4 =	simm.s32 $0x4F;
	v37 =	vmul.f32 v55, v17;
	v12 =	vimm.f32 $0.0e+00;
	v34 =	vld.idx.msk [tilespmem:v6+s2+$0x0], $0xffff;
	v6 =	vimm.f32 $0.0e+00  }
.LBB2_3:
0x66: {  	p0 =	sne.s32 s4, $0x4FF;
	v44 =	vld.idx.msk [tilespmem:v44+s13+$0x0], $0xffff;
	v54 =	vmul.f32 v24, v17;
	v55 =	vmul.f32 v21, v17;
	v56 =	vmov s5;
	s12 =	sadd.s32 $0x8, s12  }
0x67: {  	s0 =	sadd.s32 $0xFFFFFFF9, s4;
	v40 =	vmul.f32 v40, v20;
	v42 =	vmul.f32 v42, v20;
	v21 =	vmov s12;
	v39 =	vld.idx.msk [tilespmem:v39+s13+$0x0], $0xffff  }
0x68: {  	v46 =	vmul.f32 v46, v20;
	v47 =	vmul.f32 v47, v20;
	v24 =	vmov s0;
	s0 =	sadd.s32 $0xFFFFFFF0, s3;
	v29 =	vld.idx.msk [tilespmem:v29+s13+$0x0], $0xffff  }
0x69: {  	s5 =	sadd.s32 $0xFFFFFFE0, s3;
	v48 =	vmul.f32 v48, v23;
	v49 =	vmul.f32 v49, v23;
	v57 =	vmov s0;
	v22 =	vld.idx.msk [tilespmem:v22+s13+$0x0], $0xffff  }
0x6a: {  	v58 =	vmov s5;
	s0 =	sadd.s32 $0xFFFFFFE8, s3;
	s3 =	smov.u32 s4;
	v50 =	vmul.f32 v50, v34;
	v51 =	vmul.f32 v51, v34;
	v32 =	vld.idx.msk [tilespmem:v32+s13+$0x0], $0xffff  }
0x6b: {  	v52 =	vmul.f32 v52, v34;
	v59 =	vmov s0;
	v53 =	vmul.f32 v53, v34;
	v33 =	vld.idx.msk [tilespmem:v33+s13+$0x0], $0xffff  }
0x6c: {  	v9 =	vadd.f32 v50, v9;
	v12 =	vadd.f32 v51, v12;
	v44 =	vmul.f32 v44, v23;
	v45 =	vld.idx.msk [tilespmem:v45+s13+$0x0], $0xffff  }
0x6d: {  	v10 =	vadd.f32 v52, v10;
	v11 =	vadd.f32 v53, v11;
	v39 =	vmul.f32 v39, v23;
	v43 =	vld.idx.msk [tilespmem:v43+s13+$0x0], $0xffff  }
0x6e: {  	v9 =	vadd.f32 v48, v9;
	v12 =	vadd.f32 v49, v12;
	v29 =	vmul.f32 v29, v20;
	v41 =	vld.idx.msk [tilespmem:v41+s13+$0x0], $0xffff  }
0x6f: {  	v10 =	vadd.f32 v44, v10;
	v11 =	vadd.f32 v39, v11;
	v22 =	vmul.f32 v22, v20;
	v48 =	vld.idx.msk [tilespmem:v58+s13+$0x0], $0xffff  }
0x70: {  	v32 =	vmul.f32 v32, v23;
	v9 =	vadd.f32 v40, v9;
	v12 =	vadd.f32 v42, v12;
	v31 =	vld.idx.msk [tilespmem:v31+s13+$0x0], $0xffff  }
0x71: {  	v10 =	vadd.f32 v46, v10;
	v33 =	vmul.f32 v33, v23;
	v11 =	vadd.f32 v47, v11;
	v39 =	vld.idx.msk [tilespmem:v59+s13+$0x0], $0xffff  }
0x72: {  	v40 =	vmul.f32 v45, v34;
	v9 =	vadd.f32 v35, v9;
	v12 =	vadd.f32 v38, v12;
	v16 =	vld.idx.msk [tilespmem:v16+s13+$0x0], $0xffff  }
0x73: {  	v10 =	vadd.f32 v36, v10;
	v35 =	vmul.f32 v43, v34;
	v11 =	vadd.f32 v37, v11;
	v38 =	vld.idx.msk [tilespmem:v57+s13+$0x0], $0xffff  }
0x74: {  	v36 =	vmul.f32 v41, v34;
	v9 =	vadd.f32 v25, v9;
	v12 =	vadd.f32 v30, v12;
	v15 =	vld.idx.msk [tilespmem:v15+s13+$0x0], $0xffff  }
0x75: {  	v10 =	vadd.f32 v26, v10;
	v25 =	vmul.f32 v48, v34;
	v11 =	vadd.f32 v28, v11;
	v30 =	vld.idx.msk [tilespmem:v56+s13+$0x0], $0xffff  }
0x76: {  	v5 =	vadd.f32 v40, v5;
	v6 =	vadd.f32 v35, v6;
	v26 =	vmul.f32 v31, v23;
	v13 =	vld.idx.msk [tilespmem:v13+s13+$0x0], $0xffff  }
0x77: {  	v7 =	vadd.f32 v36, v7;
	v8 =	vadd.f32 v25, v8;
	v23 =	vmul.f32 v39, v23;
	v25 =	vld.idx.msk [tilespmem:v27+s13+$0x0], $0xffff  }
0x78: {  	v5 =	vadd.f32 v32, v5;
	v6 =	vadd.f32 v33, v6;
	v16 =	vmul.f32 v16, v20  }
0x79: {  	v7 =	vadd.f32 v26, v7;
	v8 =	vadd.f32 v23, v8;
	v20 =	vmul.f32 v38, v20  }
0x7a: {  	v5 =	vadd.f32 v29, v5;
	v6 =	vadd.f32 v22, v6;
	v15 =	vmul.f32 v15, v17  }
0x7b: {  	v7 =	vadd.f32 v16, v7;
	v8 =	vadd.f32 v20, v8;
	v16 =	vmul.f32 v30, v17  }
0x7c: {  	v5 =	vadd.f32 v54, v5;
	v6 =	vadd.f32 v55, v6;
	v13 =	vmul.f32 v13, v14  }
0x7d: {  	s0 =	sadd.s32 $0xFFFFFFFA, s4;
	v7 =	vadd.f32 v15, v7;
	v8 =	vadd.f32 v16, v8;
	v14 =	vmul.f32 v25, v14  }
0x7e: {  	v15 =	vmov s0;
	s0 =	sadd.s32 $0xFFFFFFFB, s4;
	v5 =	vadd.f32 v19, v5;
	v6 =	vadd.f32 v18, v6  }
0x7f: {  	s7 =	sadd.s32 $0xFFFFFFFE, s4;
	s5 =	sadd.s32 $0xFFFFFFFD, s4;
	v16 =	vmov s0;
	s0 =	sadd.s32 $0xFFFFFFFC, s4;
	v7 =	vadd.f32 v13, v7;
	v8 =	vadd.f32 v14, v8  }
0x80: {  	s11 =	sadd.s32 $0xFFFFFFF1, s4;
	s6 =	sadd.s32 $0xFFFFFFF2, s4;
	v17 =	vmov s7;
	v13 =	vmov s0;
	s0 =	sadd.s32 $0xFFFFFFFF, s4;
	v14 =	vmov s5  }
0x81: {  	s7 =	sadd.s32 $0xFFFFFFF5, s4;
	v19 =	vmov s6;
	s6 =	sadd.s32 $0xFFFFFFF4, s4;
	v18 =	vmov s11;
	s5 =	sadd.s32 $0xFFFFFFF3, s4;
	v20 =	vmov s0  }
0x82: {  	v23 =	vmov s6;
	v25 =	vmov s7;
	s6 =	sadd.s32 $0xFFFFFFF7, s4;
	s0 =	sadd.s32 $0xFFFFFFE9, s4;
	v22 =	vmov s5;
	s5 =	sadd.s32 $0xFFFFFFF6, s4  }
0x83: {  	s7 =	sadd.s32 $0xFFFFFFEB, s4;
	s11 =	sadd.s32 $0xFFFFFFEC, s4;
	v28 =	vmov s6;
	v26 =	vmov s0;
	s0 =	sadd.s32 $0xFFFFFFEA, s4;
	v27 =	vmov s5  }
0x84: {  	v30 =	vmov s7;
	v31 =	vmov s11;
	s6 =	sadd.s32 $0xFFFFFFEF, s4;
	v29 =	vmov s0;
	s0 =	sadd.s32 $0xFFFFFFED, s4;
	s5 =	sadd.s32 $0xFFFFFFEE, s4  }
0x85: {  	s10 =	sadd.s32 $0xFFFFFFE3, s4;
	s7 =	sadd.s32 $0xFFFFFFE1, s4;
	s11 =	sadd.s32 $0xFFFFFFE2, s4;
	v34 =	vmov s6;
	v32 =	vmov s0;
	v33 =	vmov s5  }
0x86: {  	v37 =	vmov s10;
	v35 =	vmov s7;
	v36 =	vmov s11;
	s6 =	sadd.s32 $0xFFFFFFE6, s4;
	s0 =	sadd.s32 $0xFFFFFFE4, s4;
	s5 =	sadd.s32 $0xFFFFFFE5, s4  }
0x87: {  	s10 =	sadd.s32 $0xFFFFFFDA, s4;
	s7 =	sadd.s32 $0xFFFFFFD9, s4;
	v40 =	vmov s6;
	v38 =	vmov s0;
	v39 =	vmov s5;
	s0 =	sadd.s32 $0xFFFFFFE7, s4  }
0x88: {  	v42 =	vmov s10;
	v41 =	vmov s7;
	s6 =	sadd.s32 $0xFFFFFFDC, s4;
	s7 =	sadd.s32 $0xFFFFFFDD, s4;
	s5 =	sadd.s32 $0xFFFFFFDB, s4;
	v43 =	vmov s0  }
0x89: {  	v45 =	vmov s6;
	v46 =	vmov s7;
	v44 =	vmov s5;
	s0 =	sadd.s32 $0xFFFFFFDE, s4;
	s5 =	sadd.s32 $0xFFFFFFDF, s4  }
0x8a: {  	v49 =	vand.u32 $0x7E, v21;
	v47 =	vmov s0;
	v48 =	vmov s5  }
0x8b: {  	v24 =	vand.u32 $0xFFFFFFF8, v24;
	v21 =	vshll.u32 v21, $0x3;
	v15 =	vand.u32 $0xFFFFFFF9, v15  }
0x8c: {  	v16 =	vand.u32 $0xFFFFFFFA, v16;
	v13 =	vand.u32 $0xFFFFFFFB, v13;
	v14 =	vand.u32 $0xFFFFFFFC, v14  }
0x8d: {  	v17 =	vand.u32 $0xFFFFFFFD, v17;
	v18 =	vand.u32 $0xFFFFFFF8, v18;
	v20 =	vand.u32 $0xFFFFFFFE, v20  }
0x8e: {  	v19 =	vand.u32 $0xFFFFFFF9, v19;
	v23 =	vand.u32 $0xFFFFFFFB, v23;
	v22 =	vand.u32 $0xFFFFFFFA, v22  }
0x8f: {  	v25 =	vand.u32 $0xFFFFFFFC, v25;
	v28 =	vand.u32 $0xFFFFFFFE, v28;
	v27 =	vand.u32 $0xFFFFFFFD, v27;
	s0 =	sadd.s32 $0xFFFFFFFF, s12  }
0x90: {  	v24 =	vbroadcast v24, $0x0;
	v26 =	vand.u32 $0xFFFFFFF8, v26;
	v50 =	vmov s0  }
0x91: {  	v15 =	vbroadcast v15, $0x0;
	v30 =	vand.u32 $0xFFFFFFFA, v30;
	v29 =	vand.u32 $0xFFFFFFF9, v29  }
0x92: {  	v31 =	vand.u32 $0xFFFFFFFB, v31;
	v16 =	vbroadcast v16, $0x0;
	v32 =	vand.u32 $0xFFFFFFFC, v32  }
0x93: {  	v34 =	vand.u32 $0xFFFFFFFE, v34;
	v13 =	vbroadcast v13, $0x0;
	v33 =	vand.u32 $0xFFFFFFFD, v33;
	s0 =	sadd.s32 $0xFFFFFFFE, s12  }
0x94: {  	v35 =	vand.u32 $0xFFFFFFF8, v35;
	v14 =	vbroadcast v14, $0x0;
	v51 =	vmov s0  }
0x95: {  	v37 =	vand.u32 $0xFFFFFFFA, v37;
	v17 =	vbroadcast v17, $0x0;
	v36 =	vand.u32 $0xFFFFFFF9, v36  }
0x96: {  	v18 =	vbroadcast v18, $0x0;
	v38 =	vand.u32 $0xFFFFFFFB, v38;
	v52 =	vand.u32 $0xFFFFFFFC, v39;
	v53 =	vld.idx.msk [tilespmem:v24+s13+$0x0], $0xffff  }
0x97: {  	v19 =	vbroadcast v19, $0x0;
	v54 =	vand.u32 $0xFFFFFFFD, v40;
	v43 =	vand.u32 $0xFFFFFFFE, v43;
	s0 =	sadd.s32 $0xFFFFFFFD, s12;
	v55 =	vld.idx.msk [tilespmem:v15+s13+$0x0], $0xffff  }
0x98: {  	v41 =	vand.u32 $0xFFFFFFF8, v41;
	v56 =	vmov s0;
	v15 =	vbroadcast v22, $0x0;
	v57 =	vld.idx.msk [tilespmem:v16+s13+$0x0], $0xffff  }
0x99: {  	v58 =	vand.u32 $0xFFFFFFF9, v42;
	v59 =	vand.u32 $0xFFFFFFFA, v44;
	v16 =	vbroadcast v23, $0x0;
	v23 =	vld.idx.msk [tilespmem:v13+s13+$0x0], $0xffff  }
0x9a: {  	v45 =	vand.u32 $0xFFFFFFFB, v45;
	v60 =	vand.u32 $0xFFFFFFFC, v46;
	v24 =	vbroadcast v25, $0x0;
	v61 =	vld.idx.msk [tilespmem:v14+s13+$0x0], $0xffff  }
0x9b: {  	v62 =	vand.u32 $0xFFFFFFFE, v48;
	s0 =	sadd.s32 $0xFFFFFFFC, s12;
	v25 =	vand.u32 $0xFFFFFFFD, v47;
	v14 =	vbroadcast v27, $0x0;
	v27 =	vld.idx.msk [tilespmem:v17+s13+$0x0], $0xffff  }
0x9c: {  	v26 =	vbroadcast v26, $0x0;
	v17 =	vmov s0;
	v63 =	vld.idx.msk [tilespmem:v18+s13+$0x0], $0xffff;
	v18 =	vand.u32 $0x400, v21  }
0x9d: {  	v42 =	vbroadcast v29, $0x0;
	v46 =	vand.u32 $0x7D, v50;
	v13 =	vbroadcast v20, $0x0;
	v0 =	vld.idx.msk [tilespmem:v19+s13+$0x0], $0xffff  }
0x9e: {  	v20 =	vshll.u32 v50, $0x3;
	v19 =	vbroadcast v30, $0x0;
	v2 =	vld.idx.msk [tilespmem:v15+s13+$0x0], $0xffff;
	v15 =	vbroadcast v28, $0x0  }
0x9f: {  	v29 =	vbroadcast v32, $0x0;
	v30 =	vbroadcast v31, $0x0;
	v28 =	vand.u32 $0x7C, v51;
	v3 =	vld.idx.msk [tilespmem:v16+s13+$0x0], $0xffff  }
0xa0: {  	v22 =	vbroadcast v33, $0x0;
	v18 =	vor.u32 v18, v49;
	v16 =	vbroadcast v34, $0x0;
	v24 =	vld.idx.msk [tilespmem:v24+s13+$0x0], $0xffff  }
0xa1: {  	v31 =	vbroadcast v35, $0x0;
	v34 =	vshll.u32 v51, $0x3;
	v21 =	vld.idx.msk [tilespmem:v14+s13+$0x0], $0xffff;
	v14 =	vor.u32 v4, v18  }
0xa2: {  	v20 =	vand.u32 $0x400, v20;
	v35 =	vbroadcast v36, $0x0;
	v18 =	vand.u32 $0x7B, v56;
	v40 =	vld.idx.msk [tilespmem:v26+s13+$0x0], $0xffff  }
0xa3: {  	v44 =	vbroadcast v37, $0x0;
	v39 =	vbroadcast v38, $0x0;
	v20 =	vor.u32 v20, v46;
	v42 =	vld.idx.msk [tilespmem:v42+s13+$0x0], $0xffff  }
0xa4: {  	v32 =	vbroadcast v52, $0x0;
	v26 =	vbroadcast v41, $0x0;
	v46 =	vld.idx.msk [tilespmem:v19+s13+$0x0], $0xffff;
	v19 =	vor.u32 v4, v20  }
0xa5: {  	v33 =	vbroadcast v54, $0x0;
	v34 =	vand.u32 $0x400, v34;
	v20 =	vbroadcast v58, $0x0;
	v47 =	vld.idx.msk [tilespmem:v30+s13+$0x0], $0xffff  }
0xa6: {  	v36 =	vbroadcast v59, $0x0;
	v28 =	vor.u32 v34, v28;
	v30 =	vshll.u32 v56, $0x3;
	v14 =	vld.idx.msk [tilespmem:v14+s2+$0x0], $0xffff  }
0xa7: {  	v34 =	vshll.u32 v17, $0x3;
	v28 =	vor.u32 v4, v28;
	v30 =	vand.u32 $0x400, v30;
	v48 =	vld.idx.msk [tilespmem:v31+s13+$0x0], $0xffff  }
0xa8: {  	v17 =	vand.u32 $0x7A, v17;
	v31 =	vand.u32 $0x400, v34;
	v18 =	vor.u32 v30, v18;
	v49 =	vld.idx.msk [tilespmem:v35+s13+$0x0], $0xffff  }
0xa9: {  	v30 =	vor.u32 v31, v17;
	v18 =	vor.u32 v4, v18;
	v31 =	vbroadcast v43, $0x0;
	v17 =	vld.idx.msk [tilespmem:v19+s2+$0x0], $0xffff  }
0xaa: {  	v37 =	vbroadcast v45, $0x0;
	v45 =	vbroadcast v60, $0x0;
	v34 =	vor.u32 v4, v30;
	v50 =	vld.idx.msk [tilespmem:v26+s13+$0x0], $0xffff  }
0xab: {  	v41 =	vbroadcast v62, $0x0;
	v43 =	vbroadcast v25, $0x0;
	v51 =	vld.idx.msk [tilespmem:v20+s13+$0x0], $0xffff  }
.Ltmp0:
0xac: {  	v25 =	vmul.f32 v53, v14;
	v30 =	vmul.f32 v55, v14;
	v20 =	vld.idx.msk [tilespmem:v28+s2+$0x0], $0xffff;
	(pc) =	sbr.rel @p0 .LBB2_3-.Ltmp0, $4  }
0xad: {  	v26 =	vmul.f32 v57, v14;
	v28 =	vmul.f32 v23, v14;
	v52 =	vld.idx.msk [tilespmem:v36+s13+$0x0], $0xffff  }
0xae: {  	v19 =	vmul.f32 v61, v14;
	v23 =	vld.idx.msk [tilespmem:v18+s2+$0x0], $0xffff;
	v18 =	vmul.f32 v27, v14  }
0xaf: {  	v35 =	vmul.f32 v63, v17;
	v38 =	vmul.f32 v0, v17;
	v34 =	vld.idx.msk [tilespmem:v34+s2+$0x0], $0xffff  }
0xb0: {  	s4 =	sadd.s32 $0x28, s4;
	s5 =	sadd.s32 $0xFFFFFFF8, s3;
	v36 =	vmul.f32 v2, v17;
	v27 =	vmov s3;
	v53 =	vld.idx.msk [tilespmem:v37+s13+$0x0], $0xffff;
	v37 =	vmul.f32 v3, v17  }
0xb1: {  	_ =	sdelay $0x3  }
0xb2: {  	v2 =	vld.idx.msk [tilespmem:v44+s13+$0x0], $0xffff  }
0xb3: {  	v0 =	vmul.f32 v24, v17;
	v39 =	vld.idx.msk [tilespmem:v39+s13+$0x0], $0xffff  }
0xb4: {  	v3 =	vmul.f32 v40, v20;
	v4 =	vmul.f32 v42, v20;
	v29 =	vld.idx.msk [tilespmem:v29+s13+$0x0], $0xffff  }
0xb5: {  	v24 =	vmov s5;
	v40 =	vmul.f32 v46, v20;
	v42 =	vmul.f32 v47, v20;
	s0 =	sadd.s32 $0xFFFFFFF0, s3;
	v45 =	vld.idx.msk [tilespmem:v45+s13+$0x0], $0xffff  }
0xb6: {  	s4 =	sadd.s32 $0xFFFFFFE0, s3;
	v43 =	vld.idx.msk [tilespmem:v43+s13+$0x0], $0xffff;
	v57 =	vmov s0;
	v44 =	vmul.f32 v48, v23;
	v56 =	vmul.f32 v49, v23  }
0xb7: {  	s12 =	sadd.s32 $0xFFFFFFE8, s3;
	v41 =	vld.idx.msk [tilespmem:v41+s13+$0x0], $0xffff;
	v60 =	vmov s4;
	v58 =	vmul.f32 v50, v34;
	v59 =	vmul.f32 v51, v34  }
0xb8: {  	v32 =	vld.idx.msk [tilespmem:v32+s13+$0x0], $0xffff;
	v63 =	vmov s12;
	v61 =	vmul.f32 v52, v34;
	v62 =	vmul.f32 v53, v34  }
0xb9: {  	v33 =	vld.idx.msk [tilespmem:v33+s13+$0x0], $0xffff;
	v9 =	vadd.f32 v58, v9;
	v12 =	vadd.f32 v59, v12;
	v2 =	vmul.f32 v2, v23  }
0xba: {  	v10 =	vadd.f32 v61, v10;
	v39 =	vmul.f32 v39, v23;
	v29 =	vmul.f32 v29, v20  }
0xbb: {  	v15 =	vld.idx.msk [tilespmem:v15+s13+$0x0], $0xffff;
	v51 =	vmul.f32 v45, v34;
	v52 =	vmul.f32 v43, v34;
	v11 =	vadd.f32 v62, v11  }
0xbc: {  	v13 =	vld.idx.msk [tilespmem:v13+s13+$0x0], $0xffff;
	v54 =	vmul.f32 v41, v34;
	v9 =	vadd.f32 v44, v9;
	v12 =	vadd.f32 v56, v12  }
0xbd: {  	v48 =	vld.idx.msk [tilespmem:v31+s13+$0x0], $0xffff;
	v32 =	vmul.f32 v32, v23;
	v2 =	vadd.f32 v2, v10;
	v5 =	vadd.f32 v51, v5  }
0xbe: {  	v22 =	vld.idx.msk [tilespmem:v22+s13+$0x0], $0xffff;
	v49 =	vmul.f32 v33, v23;
	v6 =	vadd.f32 v52, v6;
	v7 =	vadd.f32 v54, v7  }
0xbf: {  	v58 =	vmul.f32 v21, v17;
	v46 =	vld.idx.msk [tilespmem:v60+s13+$0x0], $0xffff;
	v39 =	vadd.f32 v39, v11;
	v3 =	vadd.f32 v3, v9  }
0xc0: {  	v16 =	vld.idx.msk [tilespmem:v16+s13+$0x0], $0xffff;
	v60 =	vmul.f32 v15, v17;
	v4 =	vadd.f32 v4, v12;
	v2 =	vadd.f32 v40, v2  }
0xc1: {  	v50 =	vld.idx.msk [tilespmem:v63+s13+$0x0], $0xffff;
	v63 =	vmul.f32 v13, v14;
	v5 =	vadd.f32 v32, v5;
	v6 =	vadd.f32 v49, v6  }
0xc2: {  	v24 =	vld.idx.msk [tilespmem:v24+s13+$0x0], $0xffff;
	v9 =	vmul.f32 v48, v23;
	v10 =	vadd.f32 v42, v39;
	v3 =	vadd.f32 v35, v3  }
0xc3: {  	v53 =	vld.idx.msk [tilespmem:v57+s13+$0x0], $0xffff;
	v44 =	vmul.f32 v22, v20;
	v4 =	vadd.f32 v38, v4;
	v2 =	vadd.f32 v36, v2  }
0xc4: {  	v59 =	vld.idx.msk [tilespmem:v27+s13+$0x0], $0xffff;
	v22 =	vmul.f32 v46, v34;
	v7 =	vadd.f32 v9, v7;
	v5 =	vadd.f32 v29, v5  }
0xc5: {  	v56 =	vmul.f32 v16, v20;
	v6 =	vadd.f32 v44, v6;
	v10 =	vadd.f32 v37, v10  }
0xc6: {  	v55 =	vmul.f32 v50, v23;
	v3 =	vadd.f32 v25, v3;
	v8 =	vadd.f32 v22, v8  }
0xc7: {  	v61 =	vmul.f32 v24, v17;
	v4 =	vadd.f32 v30, v4;
	v2 =	vadd.f32 v26, v2  }
0xc8: {  	v57 =	vmul.f32 v53, v20;
	v7 =	vadd.f32 v56, v7;
	v8 =	vadd.f32 v55, v8  }
0xc9: {  	v15 =	vmul.f32 v59, v14;
	v0 =	vadd.f32 v0, v5;
	v62 =	vadd.f32 v58, v6  }
0xca: {  	v10 =	vadd.f32 v28, v10;
	v12 =	vmax.f32 v3, v4;
	v8 =	vadd.f32 v57, v8  }
0xcb: {  	v7 =	vadd.f32 v60, v7;
	v0 =	vadd.f32 v19, v0;
	v13 =	vmax.f32 v12, v2  }
0xcc: {  	v5 =	vadd.f32 v18, v62;
	v9 =	vmax.f32 v13, v10;
	v8 =	vadd.f32 v61, v8  }
0xcd: {  	v6 =	vadd.f32 v63, v7;
	v16 =	vmax.f32 v9, v0  }
0xce: {  	v7 =	vmax.f32 v16, v5;
	v8 =	vadd.f32 v15, v8  }
0xcf: {  	v7 =	vmax.f32 v7, v6  }
0xd0: {  	v7 =	vmax.f32 v7, v8  }
0xd1: {  	v3 =	vsub.f32 v3, v7  }
0xd2: {  	v4 =	vsub.f32 v4, v7  }
0xd3: {  	v3 =	vmul.f32 $1.442695020e+00, v3  }
0xd4: {  	v2 =	vsub.f32 v2, v7;
	v4 =	vmul.f32 $1.442695020e+00, v4  }
0xd5: {  	(erf) = vpow2.f32 v3  }
0xd6: {  	v2 =	vmul.f32 $1.442695020e+00, v2;
	v3 =	vsub.f32 v10, v7;
	(erf) = vpow2.f32 v4;
	_ =	sdelay $0x1  }
0xd7: {  	v0 =	vsub.f32 v0, v7;
	(erf) = vpow2.f32 v2;
	v2 =	vmul.f32 $1.442695020e+00, v3;
	_ =	sdelay $0x1  }
0xd8: {  	v0 =	vmul.f32 $1.442695020e+00, v0;
	(erf) = vpow2.f32 v2;
	v2 =	vsub.f32 v5, v7;
	_ =	sdelay $0x1  }
0xd9: {  	(erf) = vpow2.f32 v0;
	v0 =	vmul.f32 $1.442695020e+00, v2;
	v2 =	vsub.f32 v6, v7;
	_ =	sdelay $0x1  }
0xda: {  	v3 =	vpop (erf);
	(erf) = vpow2.f32 v0;
	v0 =	vmul.f32 $1.442695020e+00, v2;
	v2 =	vsub.f32 v8, v7  }
0xdb: {  	v4 =	vpop (erf)  }
0xdc: {  	(erf) = vpow2.f32 v0;
	v0 =	vmul.f32 $1.442695020e+00, v2;
	v2 =	vadd.f32 v4, v3;
	_ =	sdelay $0x1  }
0xdd: {  	v17 =	vpop (erf)  }
0xde: {  	(erf) = vpow2.f32 v0;
	v0 =	vadd.f32 v2, v17  }
0xdf: {  	v2 =	vpop (erf)  }
0xe0: {  	v0 =	vadd.f32 v0, v2  }
0xe1: {  	v18 =	vpop (erf)  }
0xe2: {  	v0 =	vadd.f32 v0, v18  }
0xe3: {  	v19 =	vpop (erf)  }
0xe4: {  	v0 =	vadd.f32 v0, v19  }
0xe5: {  	v20 =	vpop (erf)  }
0xe6: {  	v0 =	vadd.f32 v0, v20  }
0xe7: {  	v21 =	vpop (erf)  }
0xe8: {  	v0 =	vadd.f32 v0, v21;
	_ =	sdelay $0x1  }
0xe9: {  	(erf) = vrcp.f32 v0;
	_ =	sdelay $0x8  }
0xea: {  	v0 =	vpop (erf)  }
0xeb: {  	v22 =	vmul.f32 v0, v3;
	v23 =	vmul.f32 v0, v4  }
0xec: {  	v24 =	vmul.f32 v0, v17  }
0xed: {  	v25 =	vmul.f32 v0, v2;
	v2 =	vmax.f32 v22, v23  }
0xee: {  	v33 =	vimm.s32 $0x0;
	v26 =	vmul.f32 v0, v18;
	v2 =	vmax.f32 v2, v24  }
0xef: {  	v41 =	vimm.s32 $0x0;
	v27 =	vmul.f32 v0, v19;
	v2 =	vmax.f32 v2, v25  }
0xf0: {  	v43 =	vimm.s32 $0x0;
	v28 =	vmul.f32 v0, v20;
	v2 =	vmax.f32 v2, v26  }
0xf1: {  	v32 =	vimm.s32 $0x0;
	v29 =	vmul.f32 v0, v21;
	v0 =	vmax.f32 v2, v27  }
0xf2: {  	v39 =	vimm.s32 $0x0;
	v36 =	vimm.s32 $0x0;
	v0 =	vmax.f32 v0, v28  }
0xf3: {  	v44 =	vimm.s32 $0x0;
	v30 =	vimm.s32 $0x0;
	v0 =	vmax.f32 v0, v29  }
0xf4: {  	v2 =	vimm.s32 $0x0;
	vm9 =	veq.f32 v22, v0;
	vm0 =	veq.f32 v23, v0  }
0xf5: {  	vm1 =	vne.f32 v22, v0;
	vm12 =	veq.f32 v24, v0;
	vm14 =	veq.f32 v25, v0  }
0xf6: {  	vm15 =	veq.f32 v26, v0;
	vm8 =	veq.f32 v27, v0;
	vm3 =	vmand vm0, vm1  }
0xf7: {  	vm11 =	veq.f32 v28, v0;
	vm2 =	vmor vm9, vm0;
	v2 =	vsel vm3, $0xFFFFFFFF, v2  }
0xf8: {  	vm13 =	vmneg vm2;
	v3 =	vsel vm3, $0xF149F2CA, v23;
	vm0 =	vmor vm12, vm2  }
0xf9: {  	[tilespmem:$0x1FF40] =	vst v2;
	v2 =	vsel vm9, $0xF149F2CA, v22;
	vm1 =	vmand vm12, vm13;
	vm2 =	vmneg vm0  }
0xfa: {  	vm0 =	vmor vm14, vm0;
	vm13 =	veq.f32 v29, v0;
	v12 =	vsel vm1, $0xFFFFFFFF, v30  }
0xfb: {  	v31 =	vsel vm1, $0xF149F2CA, v24;
	vm4 =	vmand vm14, vm2;
	vm7 =	vmneg vm0  }
0xfc: {  	vm0 =	vmor vm15, vm0;
	v38 =	vmax.f32 v2, v3;
	v13 =	vsel vm4, $0xFFFFFFFF, v32  }
0xfd: {  	vm3 =	vmand vm15, vm7;
	vm10 =	vmneg vm0;
	v34 =	vsel vm4, $0xF149F2CA, v25  }
0xfe: {  	vm0 =	vmor vm8, vm0;
	v16 =	vmax.f32 v38, v31;
	v35 =	vsel vm3, $0xF149F2CA, v26  }
0xff: {  	vm2 =	vmand vm8, vm10;
	vm12 =	vmneg vm0;
	vm0 =	vmor vm11, vm0  }
0x100: {  	v16 =	vmax.f32 v16, v34;
	v15 =	vsel vm2, $0xFFFFFFFF, v36;
	v37 =	vsel vm2, $0xF149F2CA, v27  }
0x101: {  	vm2 =	vmand vm11, vm12;
	vm0 =	vmneg vm0;
	v0 =	vmax.f32 v16, v35  }
0x102: {  	v40 =	vsel vm2, $0xF149F2CA, v28;
	vm0 =	vmand vm13, vm0;
	v0 =	vmax.f32 v0, v37  }
0x103: {  	[tilespmem:$0x1FF60] =	vst v13;
	v17 =	vsel vm2, $0xFFFFFFFF, v39;
	v42 =	vsel vm0, $0xF149F2CA, v29;
	v0 =	vmax.f32 v0, v40  }
0x104: {  	v13 =	vsel vm3, $0xFFFFFFFF, v33;
	[tilespmem:$0x1FFB0] =	vst v17;
	v17 =	vsel vm0, $0xFFFFFFFF, v41;
	v0 =	vmax.f32 v0, v42  }
0x105: {  	vm15 =	veq.f32 v2, v0;
	vm14 =	vne.f32 v2, v0;
	vm4 =	veq.f32 v3, v0  }
0x106: {  	vm6 =	veq.f32 v31, v0;
	vm8 =	veq.f32 v34, v0;
	vm11 =	veq.f32 v35, v0  }
0x107: {  	v2 =	vsel vm15, $0xF149F2CA, v2;
	vm14 =	vmand vm4, vm14;
	vm5 =	vmor vm15, vm4  }
0x108: {  	v3 =	vsel vm14, $0xF149F2CA, v3;
	vm7 =	vmneg vm5;
	vm0 =	vmor vm6, vm5  }
0x109: {  	vm13 =	vmand vm6, vm7;
	vm10 =	vmneg vm0;
	vm0 =	vmor vm8, vm0  }
0x10a: {  	vm7 =	veq.f32 v37, v0;
	v45 =	vmax.f32 v2, v3;
	vm12 =	vmand vm8, vm10  }
0x10b: {  	[tilespmem:$0x1FF50] =	vst v12;
	vm6 =	vmneg vm0;
	vm0 =	vmor vm11, vm0;
	v12 =	vsel vm13, $0xF149F2CA, v31  }
0x10c: {  	vm11 =	vmand vm11, vm6;
	vm5 =	vmneg vm0;
	vm0 =	vmor vm7, vm0  }
0x10d: {  	vm6 =	veq.f32 v40, v0;
	vm3 =	vmand vm7, vm5;
	vm7 =	vmneg vm0  }
0x10e: {  	[tilespmem:$0x1FF70] =	vst v13;
	vm8 =	veq.f32 v42, v0;
	v18 =	vsel vm3, $0xFFFFFFFF, v43;
	vm2 =	vmand vm6, vm7  }
0x10f: {  	v13 =	vsel vm12, $0xF149F2CA, v34;
	vm0 =	vmor vm6, vm0;
	[tilespmem:$0x1FF80] =	vst v18;
	v18 =	vsel vm2, $0xFFFFFFFF, v44  }
0x110: {  	v0 =	vimm.s32 $0x0;
	vm0 =	vmneg vm0;
	[tilespmem:$0x1FFA0] =	vst v18;
	v18 =	vmax.f32 v45, v12  }
0x111: {  	v14 =	vsel vm11, $0xF149F2CA, v35;
	vm0 =	vmand vm8, vm0;
	v18 =	vmax.f32 v18, v13  }
0x112: {  	[tilespmem:$0x1FF90] =	vst v15;
	v15 =	vsel vm3, $0xF149F2CA, v37;
	v0 =	vsel vm0, $0xFFFFFFFF, v0;
	v18 =	vmax.f32 v18, v14  }
0x113: {  	[tilespmem:$0x1FFC0] =	vst v0;
	v0 =	vsel vm2, $0xF149F2CA, v40;
	v46 =	vmax.f32 v18, v15  }
0x114: {  	[tilespmem:$0x1FFD0] =	vst v17;
	v17 =	vsel vm0, $0xF149F2CA, v42;
	v16 =	vmax.f32 v46, v0  }
0x115: {  	v16 =	vmax.f32 v16, v17  }
0x116: {  	vm8 =	veq.f32 v2, v16  }
0x117: {  	vm1 =	veq.f32 v3, v16;
	vm10 =	vne.f32 v2, v16;
	vm6 =	veq.f32 v12, v16  }
0x118: {  	vm4 =	vmor vm8, vm1;
	vm10 =	vmand vm1, vm10;
	vm1 =	veq.f32 v13, v16  }
0x119: {  	v2 =	vsel vm8, $0xF149F2CA, v2;
	vm7 =	vmneg vm4;
	vm2 =	vmor vm6, vm4  }
0x11a: {  	v3 =	vsel vm10, $0xF149F2CA, v3;
	vm3 =	vmand vm6, vm7;
	vm5 =	vmneg vm2  }
0x11b: {  	vm6 =	vmor vm1, vm2;
	vm7 =	veq.f32 v14, v16;
	v47 =	vmax.f32 v2, v3  }
0x11c: {  	vm2 =	vmand vm1, vm5;
	vm0 =	vmneg vm6;
	vm1 =	vmor vm7, vm6  }
0x11d: {  	v12 =	vsel vm3, $0xF149F2CA, v12;
	vm4 =	vmand vm7, vm0;
	vm0 =	veq.f32 v15, v16  }
0x11e: {  	vm6 =	vmneg vm1;
	v13 =	vsel vm2, $0xF149F2CA, v13;
	v18 =	vmax.f32 v47, v12  }
0x11f: {  	vm6 =	vmand vm0, vm6;
	vm5 =	vmor vm0, vm1;
	vm0 =	veq.f32 v0, v16  }
0x120: {  	v14 =	vsel vm4, $0xF149F2CA, v14;
	v18 =	vmax.f32 v18, v13;
	vm7 =	vmneg vm5  }
0x121: {  	vm1 =	veq.f32 v17, v16;
	vm7 =	vmand vm0, vm7;
	vm0 =	vmor vm0, vm5  }
0x122: {  	v15 =	vsel vm6, $0xF149F2CA, v15;
	v18 =	vmax.f32 v18, v14;
	vm0 =	vmneg vm0  }
0x123: {  	v48 =	vmax.f32 v18, v15;
	v0 =	vsel vm7, $0xF149F2CA, v0;
	vm5 =	vmand vm1, vm0  }
0x124: {  	v16 =	vmax.f32 v48, v0;
	v17 =	vsel vm5, $0xF149F2CA, v17  }
0x125: {  	vm9 =	vmor vm9, vm15;
	v16 =	vmax.f32 v16, v17  }
0x126: {  	vm0 =	vmor vm9, vm8;
	vm8 =	vne.f32 v2, v16;
	vm9 =	veq.f32 v2, v16;
	v2 =	vld [tilespmem:$0x1FF40];
	_ =	sdelay $0x3  }
0x127: {  	vm15 =	veq.f32 v3, v16;
	vm1 =	vmor vm0, vm9  }
0x128: {  	vm8 =	vmand vm15, vm8;
	vm9 =	vmor vm9, vm15;
	vm15 =	vnez.u8 v2;
	v2 =	vld [tilespmem:$0x1FF50];
	_ =	sdelay $0x1  }
0x129: {  	vm8 =	vmor vm14, vm8  }
0x12a: {  	v49 =	vld [tilespmem:$0x1FF70];
	vm14 =	veq.f32 v12, v16;
	vm8 =	vmor vm15, vm8;
	vm15 =	vmneg vm9  }
0x12b: {  	v52 =	vld [tilespmem:$0x1FF90];
	vm9 =	vmor vm14, vm9;
	vm14 =	vmand vm14, vm15  }
0x12c: {  	vm8 =	vmor vm10, vm8;
	vm10 =	vmor vm13, vm14;
	vm13 =	vnez.u8 v2;
	v2 =	vld [tilespmem:$0x1FF60]  }
0x12d: {  	vm15 =	veq.f32 v13, v16;
	vm0 =	vmneg vm9  }
0x12e: {  	vm0 =	vmand vm15, vm0;
	vm9 =	vmor vm15, vm9;
	v3 =	vnsel vm8, $0x0, v23  }
0x12f: {  	vm14 =	vnez.u8 v49;
	vm0 =	vmor vm12, vm0;
	vm10 =	vmor vm13, vm10  }
0x130: {  	v51 =	vld [tilespmem:$0x1FF80];
	vm13 =	vmneg vm9;
	vm3 =	vmor vm3, vm10;
	vm10 =	vnez.u8 v52  }
0x131: {  	v9 =	vnsel vm3, $0x0, v24;
	vm12 =	vnez.u8 v2;
	v2 =	vnsel vm1, $0x0, v22  }
0x132: {  	vm0 =	vmor vm12, vm0;
	vm12 =	veq.f32 v14, v16;
	v50 =	vadd.f32 v3, v2  }
0x133: {  	v53 =	vld [tilespmem:$0x1FFA0];
	vm0 =	vmor vm2, vm0;
	vm15 =	vmand vm12, vm13;
	vm9 =	vmor vm12, vm9  }
0x134: {  	vm12 =	veq.f32 v15, v16;
	vm2 =	vmor vm11, vm15;
	vm13 =	vmneg vm9  }
0x135: {  	v54 =	vld [tilespmem:$0x1FFB0];
	vm15 =	vnez.u8 v51;
	vm1 =	vmor vm12, vm9;
	v10 =	vadd.f32 v9, v50  }
0x136: {  	vm11 =	veq.f32 v0, v16;
	v0 =	vnsel vm0, $0x0, v25;
	vm2 =	vmor vm14, vm2  }
0x137: {  	v55 =	vld [tilespmem:$0x1FFC0];
	vm8 =	vmand vm12, vm13;
	vm12 =	vmneg vm1;
	vm1 =	vmor vm11, vm1  }
0x138: {  	vm13 =	vnez.u8 v53;
	vm14 =	veq.f32 v17, v16;
	vm2 =	vmor vm4, vm2  }
0x139: {  	v56 =	vld [tilespmem:$0x1FFD0];
	vm4 =	vmor vm15, vm8;
	vm0 =	vmand vm11, vm12;
	v8 =	vadd.f32 v0, v10  }
0x13a: {  	vm1 =	vmneg vm1;
	vm15 =	vnez.u8 v54;
	vm3 =	vmor vm10, vm4  }
0x13b: {  	vm0 =	vmor vm13, vm0;
	v7 =	vnsel vm2, $0x0, v26;
	vm1 =	vmand vm14, vm1  }
0x13c: {  	vm4 =	vnez.u8 v55;
	vm3 =	vmor vm6, vm3;
	v8 =	vadd.f32 v7, v8  }
0x13d: {  	vm0 =	vmor vm15, vm0;
	vm1 =	vmor vm4, vm1;
	v6 =	vnsel vm3, $0x0, v27  }
0x13e: {  	vm6 =	vnez.u8 v56;
	vm0 =	vmor vm7, vm0;
	v8 =	vadd.f32 v6, v8  }
0x13f: {  	vm1 =	vmor vm6, vm1;
	v5 =	vnsel vm0, $0x0, v28  }
0x140: {  	vm7 =	vmor vm5, vm1;
	v8 =	vadd.f32 v5, v8  }
0x141: {  	v4 =	vnsel vm7, $0x0, v29  }
0x142: {  	v8 =	vadd.f32 v4, v8;
	_ =	sdelay $0x1  }
0x143: {  	v8 =	vadd.f32 $9.999999970e-07, v8;
	_ =	sdelay $0x1  }
0x144: {  	(erf) = vrcp.f32 v8;
	_ =	sdelay $0x1  }
0x145: {  	v57 =	vld [tilespmem:$0x1FFE0];
	_ =	sdelay $0x4  }
0x146: {  	v8 =	vshll.u32 v57, $0x7;
	_ =	sdelay $0x1  }
0x147: {  	v58 =	vpop (erf)  }
0x148: {  	v59 =	vor.u32 $0x1, v8;
	v2 =	vmul.f32 v58, v2;
	_ =	sdelay $0x1  }
0x149: {  	[tilespmem:v8+s14+$0x0] =	vst.idx.msk $0xffff, v2;
	vm8 =	vgt.f32 v2, $0.0e+00  }
0x14a: {  	v60 =	vor.u32 $0x2, v8;
	v3 =	vmul.f32 v58, v3;
	[tilespmem:s15+$0x0] =	vst.add.f32.msk $0xffff, v2;
	v2 =	vsel vm8, $0x3F800000, v1  }
0x14b: {  	[tilespmem:s16+$0x0] =	vst.add.f32.msk $0xffff, v2  }
0x14c: {  	vm9 =	vgt.f32 v3, $0.0e+00;
	[tilespmem:v59+s14+$0x0] =	vst.idx.msk $0xffff, v3  }
0x14d: {  	v61 =	vor.u32 $0x3, v8;
	v2 =	vsel vm9, $0x3F800000, v1;
	[tilespmem:s17+$0x0] =	vst.add.f32.msk $0xffff, v3;
	v3 =	vmul.f32 v58, v9  }
0x14e: {  	[tilespmem:s18+$0x0] =	vst.add.f32.msk $0xffff, v2  }
0x14f: {  	[tilespmem:v60+s14+$0x0] =	vst.idx.msk $0xffff, v3;
	vm10 =	vgt.f32 v3, $0.0e+00  }
0x150: {  	v0 =	vmul.f32 v58, v0;
	[tilespmem:s19+$0x0] =	vst.add.f32.msk $0xffff, v3;
	v2 =	vsel vm10, $0x3F800000, v1;
	v3 =	vor.u32 $0x4, v8  }
0x151: {  	[tilespmem:s20+$0x0] =	vst.add.f32.msk $0xffff, v2  }
0x152: {  	vm11 =	vgt.f32 v0, $0.0e+00;
	[tilespmem:v61+s14+$0x0] =	vst.idx.msk $0xffff, v0  }
0x153: {  	v62 =	vor.u32 $0x5, v8;
	v2 =	vmul.f32 v58, v7;
	[tilespmem:s21+$0x0] =	vst.add.f32.msk $0xffff, v0;
	v0 =	vsel vm11, $0x3F800000, v1  }
0x154: {  	[tilespmem:s22+$0x0] =	vst.add.f32.msk $0xffff, v0  }
0x155: {  	vm12 =	vgt.f32 v2, $0.0e+00;
	[tilespmem:v3+s14+$0x0] =	vst.idx.msk $0xffff, v2  }
0x156: {  	v0 =	vsel vm12, $0x3F800000, v1;
	v3 =	vor.u32 $0x6, v8;
	[tilespmem:s23+$0x0] =	vst.add.f32.msk $0xffff, v2;
	v2 =	vmul.f32 v58, v6  }
0x157: {  	[tilespmem:s24+$0x0] =	vst.add.f32.msk $0xffff, v0  }
0x158: {  	[tilespmem:v62+s14+$0x0] =	vst.idx.msk $0xffff, v2;
	vm13 =	vgt.f32 v2, $0.0e+00  }
0x159: {  	v63 =	vor.u32 $0x7, v8;
	[tilespmem:s25+$0x0] =	vst.add.f32.msk $0xffff, v2;
	v0 =	vsel vm13, $0x3F800000, v1;
	v2 =	vmul.f32 v58, v5  }
0x15a: {  	s9 =	sadd.s32 $0x1, s9;
	[tilespmem:s26+$0x0] =	vst.add.f32.msk $0xffff, v0  }
0x15b: {  	p0 =	sne.s32 s9, $0x8;
	[tilespmem:v3+s14+$0x0] =	vst.idx.msk $0xffff, v2;
	vm14 =	vgt.f32 v2, $0.0e+00  }
.Ltmp1:
0x15c: {  	[tilespmem:s28+$0x0] =	vst.add.f32.msk $0xffff, v2;
	v0 =	vsel vm14, $0x3F800000, v1;
	v2 =	vmul.f32 v58, v4;
	(pc) =	sbr.rel @p0 .LBB2_2-.Ltmp1, $4  }
0x15d: {  	[tilespmem:s29+$0x0] =	vst.add.f32.msk $0xffff, v0  }
0x15e: {  	[tilespmem:v63+s14+$0x0] =	vst.idx.msk $0xffff, v2;
	vm15 =	vgt.f32 v2, $0.0e+00  }
0x15f: {  	v0 =	vsel vm15, $0x3F800000, v1;
	[tilespmem:s30+$0x0] =	vst.add.f32.msk $0xffff, v2  }
0x160: {  	[tilespmem:s31+$0x0] =	vst.add.f32.msk $0xffff, v0  }
0x161: {  	s0 =	rddreg [dreg:$0x6]  }
0x162: {  	[hbm4b:s0+s2] =	stream.linear.scatter [tilespmem:s14], [sflag:$0x2], $0x4000, $0x38;
	[tilespmem:$0xCD00] =	vst v63  }
0x163: {  	_ =	swait.ge [sflag:s1], $0x4000  }
0x164: {  	s5 =	simm.s32 $0x80;
	[sflag:s1] =	ssyncset.done $0x0  }
0x165: {  	s3 =	simm.s32 $0x400;
	s11 =	rddreg [dreg:$0x7];
	[sflag:s1] =	ssyncadd.s32 $0xFFFFC000  }
0x166: {  	[hbm4b:s11+s5] =	stream.strided.scatter [tilespmem:s15], [sflag:$0x2], $0x400, s3, s5, $0x38;
	[tilespmem:$0xCD00] =	vst v63  }
0x167: {  	s0 =	sadd.s32 $0x1000, s11  }
0x168: {  	[hbm4b:s0+s5] =	stream.strided.scatter [tilespmem:s16], [sflag:$0x2], $0x400, s3, s5, $0x38;
	[tilespmem:$0xCD00] =	vst v63  }
0x169: {  	_ =	swait.ge [sflag:s1], $0x800  }
0x16a: {  	s8 =	sadd.s32 $0x1, s8;
	s12 =	rddreg [dreg:$0x8]  }
0x16b: {  	p0 =	sne.s32 s8, s12  }
.Ltmp2:
0x16c: {  	_ = 	snop;
	(pc) =	sbr.rel @p0 .LBB2_1-.Ltmp2, $3  }
0x16d: {  	_ =	sdelay $0x1  }
0x16e: {  	[sflag:s1] =	ssyncset.done $0x0  }
0x16f: {  	[sflag:s1] =	ssyncadd.s32 $0xFFFFF800  }
0x170: {  	_ =	sfence.sel $0x180000  }
0x171: {  	[bflag:$0x0] =	sbarrier.arrive $0xFFFF  }
0x172: {  	_ =	strace $0x90000047  }
0x173: {  	s0 =	stileid.u32;
	[bflag:$0x2] =	sbarrier.arrive $0xFFFF  }
0x174: {  	p0 =	sne.s32 s0, $0x0;
	s0 =	rddreg [dreg:$0x3]  }
0x175: {  	s0 =	sadd.s32 @!p0 $0x100000, s0  }
0x176: {  	[sflag:s0] =	ssyncadd.tile.s32 @!p0 $0x1;
	_ =	shalt  }
.Lfunc_end2:
_tile_overlayer_lowered:
.L_overlay_start_2:
0x177: {  	(tag) =	ssettag $0x2  }
0x178: {  	s0 =	rddreg [dreg:$0x0];
	s2 =	stileid.u32  }
0x179: {  	s1 =	rddreg [dreg:$0x1];
	p0 =	sne.s32 s2, $0x0  }
0x17a: {  	s3 =	rddreg [dreg:$0x2];
	[bflag:$0x3] =	sbarrier.arrive $0xFFFF;
	s2 =	simm.s32 @!p0 $0x1C02  }
0x17b: {  	[timem:s3], [sflag:s2] =	dma.local @!p0 [hbm:s0], s1  }
0x17c: {  	s0 =	simm.s32 @!p0 $0x2  }
0x17d: {  	_ =	swait.ge @!p0 [sflag:s0], s1  }
0x17e: {  	s1 =	ssub.s32 @!p0 $0x0, s1;
	[sflag:s0] =	ssyncset.done @!p0 $0x0  }
0x17f: {  	[sflag:s0] =	ssyncadd.s32 @!p0 s1  }
0x180: {  	[bflag:$0x3] =	sbarrier.arrive $0xFFFF  }
0x181: {  	_ =	shalt  }

</sc_bundles>
